<compile_context>
chip_gen: v7x
topology: tpu7x:2x2x1
jax: 0.10.2.dev20260603
libtpu: 0.0.44.dev20260713+nightly
codegen_flags: <defaults>
</compile_context>

<pallas_src>
import functools

import jax
import jax.numpy as jnp
from jax import lax
from jax.experimental import pallas as pl
from jax.experimental.pallas import tpu as pltpu
from jax.experimental.pallas import tpu_sc as plsc

NC = 2
NS = 16
CH = 128


def _sc_aggregate(x, src, dst):
    N, F = x.shape
    E = src.shape[0]
    assert E % CH == 0, E
    total_chunks = E // CH
    NW = NC * NS
    base, rem = divmod(total_chunks, NW)
    BR = 80
    assert N % BR == 0 and BR <= CH
    NBLK = N // BR
    zbase, zrem = divmod(NBLK, NS)

    mesh = plsc.VectorSubcoreMesh(core_axis_name="c", subcore_axis_name="s")

    @functools.partial(
        pl.kernel,
        out_type=jax.ShapeDtypeStruct((NC, N, F), jnp.float32),
        mesh=mesh,
        scratch_types=[
            pltpu.VMEM((CH,), jnp.int32),
            pltpu.VMEM((CH,), jnp.int32),
            pltpu.VMEM((CH,), jnp.int32),
            pltpu.VMEM((CH,), jnp.int32),
            pltpu.VMEM((CH, F), jnp.float32),
            pltpu.VMEM((CH, F), jnp.float32),
            pltpu.VMEM_SHARED((N, F), jnp.float32),
            pltpu.SemaphoreType.DMA,
            pltpu.SemaphoreType.DMA,
            pltpu.SemaphoreType.DMA,
            pltpu.SemaphoreType.DMA,
            pltpu.SemaphoreType.DMA,
            pltpu.SemaphoreType.DMA,
        ],
    )
    def agg_kernel(x_hbm, src_hbm, dst_hbm, out_hbm, ia_v, ja_v, ib_v, jb_v,
                   rows_a, rows_b, acc_sh, gsem_a, gsem_b, isem_a, isem_b,
                   ssem_a, ssem_b):
        cid = lax.axis_index("c")
        sid = lax.axis_index("s")
        wid = cid * NS + sid

        zero16 = jnp.zeros((16,), jnp.float32)

        def zrow(i, carry):
            for l in range(F // 16):
                rows_a[i, pl.ds(l * 16, 16)] = zero16
            return carry

        lax.fori_loop(0, BR, zrow, 0)
        nzb = zbase + jnp.where(sid < zrem, 1, 0)

        def zblk(t, carry):
            r0 = pl.multiple_of((sid + t * NS) * BR, 8)
            pltpu.sync_copy(rows_a.at[pl.ds(0, BR)], acc_sh.at[pl.ds(r0, BR)])
            return carry

        lax.fori_loop(0, nzb, zblk, 0)
        plsc.subcore_barrier()

        nci = base + jnp.where(wid < rem, 1, 0)

        def chunk_off(t):
            return pl.multiple_of((wid + t * NW) * CH, 8)

        def fire_idx(t, i_v, j_v, isem):
            off = chunk_off(t)
            pltpu.async_copy(src_hbm.at[pl.ds(off, CH)], i_v, isem)
            pltpu.async_copy(dst_hbm.at[pl.ds(off, CH)], j_v, isem)

        def drain_idx(i_v, j_v, isem):
            pltpu.make_async_copy(src_hbm.at[pl.ds(0, CH)], i_v, isem).wait()
            pltpu.make_async_copy(src_hbm.at[pl.ds(0, CH)], j_v, isem).wait()

        def rows_v_for(gsem):
            return rows_a if gsem is gsem_a else rows_b

        def drain_gather(gsem):
            pltpu.make_async_copy(x_hbm.at[pl.ds(0, CH)], rows_v_for(gsem),
                                  gsem).wait()

        fire_idx(0, ia_v, ja_v, isem_a)
        drain_idx(ia_v, ja_v, isem_a)
        pltpu.async_copy(x_hbm.at[ia_v], rows_a, gsem_a)

        @pl.when(nci > 1)
        def _():
            fire_idx(1, ib_v, jb_v, isem_b)

        def drain_scatter(ssem, rows_v):
            pltpu.make_async_copy(x_hbm.at[pl.ds(0, CH)], rows_v, ssem).wait()

        def body(g, carry):
            t0 = 2 * g
            drain_idx(ib_v, jb_v, isem_b)
            pltpu.async_copy(x_hbm.at[ib_v], rows_b, gsem_b)
            drain_gather(gsem_a)
            pltpu.async_copy(rows_a, acc_sh.at[ja_v], ssem_a, add=True)

            drain_gather(gsem_b)
            pltpu.async_copy(rows_b, acc_sh.at[jb_v], ssem_b, add=True)

            drain_scatter(ssem_a, rows_a)

            @pl.when(t0 + 2 < nci)
            def _():
                fire_idx(t0 + 2, ia_v, ja_v, isem_a)
                drain_idx(ia_v, ja_v, isem_a)
                pltpu.async_copy(x_hbm.at[ia_v], rows_a, gsem_a)

            drain_scatter(ssem_b, rows_b)

            @pl.when(t0 + 3 < nci)
            def _():
                fire_idx(t0 + 3, ib_v, jb_v, isem_b)
            return carry

        lax.fori_loop(0, nci // 2, body, 0)

        @pl.when(nci % 2 == 1)
        def _():
            drain_gather(gsem_a)
            pltpu.sync_copy(rows_a, acc_sh.at[ja_v], add=True)

        plsc.subcore_barrier()

        def dblk(t, carry):
            r0 = pl.multiple_of((sid + t * NS) * BR, 8)
            pltpu.sync_copy(acc_sh.at[pl.ds(r0, BR)],
                            out_hbm.at[cid, pl.ds(r0, BR)])
            return carry

        lax.fori_loop(0, nzb, dblk, 0)

    return agg_kernel(x, src, dst)


def _tc_combine(aggp, h, W_rel, W_root, b):
    N, F = h.shape
    H = W_rel.shape[1]
    R = 1000
    G = N // R

    def body(ap_ref, h_ref, wrel_ref, wroot_ref, b_ref, o_ref):
        agg = ap_ref[0] + ap_ref[1]
        acc = jnp.dot(agg, wrel_ref[...], preferred_element_type=jnp.float32)
        acc += jnp.dot(h_ref[...], wroot_ref[...], preferred_element_type=jnp.float32)
        o_ref[...] = jnp.maximum(acc + b_ref[...], 0.0)

    return pl.pallas_call(
        body,
        grid=(G,),
        in_specs=[
            pl.BlockSpec((2, R, F), lambda i: (0, i, 0)),
            pl.BlockSpec((R, F), lambda i: (i, 0)),
            pl.BlockSpec((F, H), lambda i: (0, 0)),
            pl.BlockSpec((F, H), lambda i: (0, 0)),
            pl.BlockSpec((1, H), lambda i: (0, 0)),
        ],
        out_specs=pl.BlockSpec((R, H), lambda i: (i, 0)),
        out_shape=jax.ShapeDtypeStruct((N, H), jnp.float32),
    )(aggp, h, W_rel, W_root, b)


def _tc_final(aggp, h1, W_rel2, W_root2, b_rel2, W_fc1, b_fc1, W_fc2, b_fc2):
    N, H = h1.shape
    C = W_fc2.shape[1]
    R = 1000
    G = N // R

    def body(ap_ref, h1_ref, wrel_ref, wroot_ref, brel_ref,
             wfc1_ref, bfc1_ref, wfc2_ref, bfc2_ref, o_ref):
        agg = ap_ref[0] + ap_ref[1]
        h2 = jnp.dot(agg, wrel_ref[...], preferred_element_type=jnp.float32)
        h2 += jnp.dot(h1_ref[...], wroot_ref[...], preferred_element_type=jnp.float32)
        h2 = jnp.maximum(h2 + brel_ref[...], 0.0)
        h3 = jnp.maximum(
            jnp.dot(h2, wfc1_ref[...], preferred_element_type=jnp.float32)
            + bfc1_ref[...], 0.0)
        o_ref[...] = (jnp.dot(h3, wfc2_ref[...], preferred_element_type=jnp.float32)
                      + bfc2_ref[...])

    return pl.pallas_call(
        body,
        grid=(G,),
        in_specs=[
            pl.BlockSpec((2, R, H), lambda i: (0, i, 0)),
            pl.BlockSpec((R, H), lambda i: (i, 0)),
            pl.BlockSpec((H, H), lambda i: (0, 0)),
            pl.BlockSpec((H, H), lambda i: (0, 0)),
            pl.BlockSpec((1, H), lambda i: (0, 0)),
            pl.BlockSpec((H, H), lambda i: (0, 0)),
            pl.BlockSpec((1, H), lambda i: (0, 0)),
            pl.BlockSpec((H, C), lambda i: (0, 0)),
            pl.BlockSpec((1, C), lambda i: (0, 0)),
        ],
        out_specs=pl.BlockSpec((R, C), lambda i: (i, 0)),
        out_shape=jax.ShapeDtypeStruct((N, C), jnp.float32),
    )(aggp, h1, W_rel2, W_root2, b_rel2, W_fc1, b_fc1, W_fc2, b_fc2)


def kernel(x, edge_index, W_rel1, b_rel1, W_root1, W_rel2, b_rel2, W_root2,
           W_fc1, b_fc1, W_fc2, b_fc2):
    src = edge_index[0]
    dst = edge_index[1]
    agg1 = _sc_aggregate(x, src, dst)
    h1 = _tc_combine(agg1, x, W_rel1, W_root1, b_rel1.reshape(1, -1))
    agg2 = _sc_aggregate(h1, src, dst)
    return _tc_final(agg2, h1, W_rel2, W_root2, b_rel2.reshape(1, -1),
                     W_fc1, b_fc1.reshape(1, -1), W_fc2, b_fc2.reshape(1, -1))

# --- scband reference (transcript-rebuilt; emitter-appended) ---
"""Pipeline reference for scband-financial-forecasting-model-75273596830207 (READ-ONLY COPY).

The authoritative reference and input builder live on the scoring server;
editing this copy changes nothing except your own understanding.
"""

import jax, jax.numpy as jnp
import numpy as np

N = 10000
E = 320000
F = 128
H = 128
C = 10


def setup_inputs(seed: int = 0) -> dict:
    key = jax.random.key(seed)
    ks = jax.random.split(key, 12)
    x = jax.random.normal(ks[0], (N, F), dtype=jnp.float32)
    edge_index = jax.random.randint(ks[1], (2, E), 0, N, dtype=jnp.int32)
    s1 = 1.0 / np.sqrt(F)
    s2 = 1.0 / np.sqrt(H)
    W_rel1 = jax.random.uniform(ks[2], (F, H), jnp.float32, -s1, s1)
    b_rel1 = jax.random.uniform(ks[3], (H,), jnp.float32, -s1, s1)
    W_root1 = jax.random.uniform(ks[4], (F, H), jnp.float32, -s1, s1)
    W_rel2 = jax.random.uniform(ks[5], (H, H), jnp.float32, -s2, s2)
    b_rel2 = jax.random.uniform(ks[6], (H,), jnp.float32, -s2, s2)
    W_root2 = jax.random.uniform(ks[7], (H, H), jnp.float32, -s2, s2)
    W_fc1 = jax.random.uniform(ks[8], (H, H), jnp.float32, -s2, s2)
    b_fc1 = jax.random.uniform(ks[9], (H,), jnp.float32, -s2, s2)
    W_fc2 = jax.random.uniform(ks[10], (H, C), jnp.float32, -s2, s2)
    b_fc2 = jax.random.uniform(ks[11], (C,), jnp.float32, -s2, s2)
    return {"x": x, "edge_index": edge_index,
            "W_rel1": W_rel1, "b_rel1": b_rel1, "W_root1": W_root1,
            "W_rel2": W_rel2, "b_rel2": b_rel2, "W_root2": W_root2,
            "W_fc1": W_fc1, "b_fc1": b_fc1, "W_fc2": W_fc2, "b_fc2": b_fc2}


def _graph_conv(h, src, dst, W_rel, b_rel, W_root):
    # PyG GraphConv: out = lin_rel(sum_{j in N(i)} x_j) + lin_root(x_i)
    msgs = jnp.take(h, src, axis=0)
    agg = jax.ops.segment_sum(msgs, dst, num_segments=h.shape[0])
    return agg @ W_rel + b_rel + h @ W_root


def reference(x, edge_index, W_rel1, b_rel1, W_root1, W_rel2, b_rel2, W_root2, W_fc1, b_fc1, W_fc2, b_fc2):
    src = edge_index[0]
    dst = edge_index[1]
    h = jax.nn.relu(_graph_conv(x, src, dst, W_rel1, b_rel1, W_root1))
    h = jax.nn.relu(_graph_conv(h, src, dst, W_rel2, b_rel2, W_root2))
    h = jax.nn.relu(h @ W_fc1 + b_fc1)
    out = h @ W_fc2 + b_fc2
    return out

if __name__ == "__main__":
    import jax
    _d = setup_inputs()
    print(jax.jit(kernel)(*tuple(_d.values())))

</pallas_src>

<mosaic_0001>
#map = affine_map<(d0, d1) -> (0, 0)>
#map1 = affine_map<(d0, d1) -> (0)>
#map2 = affine_map<(d0, d1) -> (0, 0, 0)>
module attributes {stable_mosaic.version = 14 : i64} {
  func.func @agg_kernel(%arg0: i32, %arg1: i32, %arg2: memref<10000x128xf32, #tpu.memory_space<hbm>>, %arg3: memref<320000xi32, #tpu.memory_space<hbm>>, %arg4: memref<320000xi32, #tpu.memory_space<hbm>>, %arg5: memref<2x10000x128xf32, #tpu.memory_space<hbm>>, %arg6: memref<128xi32, #tpu.memory_space<vmem>>, %arg7: memref<128xi32, #tpu.memory_space<vmem>>, %arg8: memref<128xi32, #tpu.memory_space<vmem>>, %arg9: memref<128xi32, #tpu.memory_space<vmem>>, %arg10: memref<128x128xf32, #tpu.memory_space<vmem>>, %arg11: memref<128x128xf32, #tpu.memory_space<vmem>>, %arg12: memref<10000x128xf32, #tpu.memory_space<vmem_shared>>, %arg13: memref<!tpu.dma_semaphore, #tpu.memory_space<semaphore_mem>>, %arg14: memref<!tpu.dma_semaphore, #tpu.memory_space<semaphore_mem>>, %arg15: memref<!tpu.dma_semaphore, #tpu.memory_space<semaphore_mem>>, %arg16: memref<!tpu.dma_semaphore, #tpu.memory_space<semaphore_mem>>, %arg17: memref<!tpu.dma_semaphore, #tpu.memory_space<semaphore_mem>>, %arg18: memref<!tpu.dma_semaphore, #tpu.memory_space<semaphore_mem>>) attributes {dimension_semantics = [#tpu.dimension_semantics<core_parallel>, #tpu.dimension_semantics<subcore_parallel>], iteration_bounds = array<i64: 2, 16>, scalar_prefetch = 0 : i64, scratch_operands = 13 : i64, tpu.core_type = #tpu.core_type<sc_vector_subcore>, window_params = [{transform_indices = #map}, {transform_indices = #map1}, {transform_indices = #map1}, {transform_indices = #map2}]} {
    %mul3A = arith.constant 16 : i32
    %mul3A_0 = arith.muli %arg0, %mul3A : i32
    %add3A = arith.addi %mul3A_0, %arg1 : i32
    %broadcast_in_dim3A = arith.constant 0.000000e+00 : f32
    %broadcast_in_dim3A_1 = vector.broadcast %broadcast_in_dim3A : f32 to vector<16xf32>
    %scan3A = arith.constant 0 : i32
    %scan3A_2 = arith.constant 0 : i32
    %scan3A_3 = arith.constant 80 : i32
    %scan3A_4 = arith.addi %scan3A_2, %scan3A_3 : i32
    %scan3A_5 = arith.constant 1 : i32
    scf.for %scan3A_105 = %scan3A_2 to %scan3A_4 step %scan3A_5  : i32 {
      %swap3A = arith.index_cast %scan3A_105 : i32 to index
      %swap3A_106 = arith.constant 0 : index
      %swap3A_107 = tpu.vector_load %arg10[%swap3A, %swap3A_106] {strides = array<i32>} : memref<128x128xf32, #tpu.memory_space<vmem>>, vector<1x16xf32>,
      %swap3A_108 = vector.shape_cast %swap3A_107 : vector<1x16xf32> to vector<16xf32>
      %swap3A_109 = vector.shape_cast %broadcast_in_dim3A_1 : vector<16xf32> to vector<1x16xf32>
      tpu.vector_store %arg10[%swap3A, %swap3A_106], %swap3A_109 {strides = array<i32>} : memref<128x128xf32, #tpu.memory_space<vmem>>, vector<1x16xf32>,
      %swap3A_110 = arith.index_cast %scan3A_105 : i32 to index
      %swap3A_111 = arith.constant 16 : index
      %swap3A_112 = tpu.vector_load %arg10[%swap3A_110, %swap3A_111] {strides = array<i32>} : memref<128x128xf32, #tpu.memory_space<vmem>>, vector<1x16xf32>,
      %swap3A_113 = vector.shape_cast %swap3A_112 : vector<1x16xf32> to vector<16xf32>
      %swap3A_114 = vector.shape_cast %broadcast_in_dim3A_1 : vector<16xf32> to vector<1x16xf32>
      tpu.vector_store %arg10[%swap3A_110, %swap3A_111], %swap3A_114 {strides = array<i32>} : memref<128x128xf32, #tpu.memory_space<vmem>>, vector<1x16xf32>,
      %swap3A_115 = arith.index_cast %scan3A_105 : i32 to index
      %swap3A_116 = arith.constant 32 : index
      %swap3A_117 = tpu.vector_load %arg10[%swap3A_115, %swap3A_116] {strides = array<i32>} : memref<128x128xf32, #tpu.memory_space<vmem>>, vector<1x16xf32>,
      %swap3A_118 = vector.shape_cast %swap3A_117 : vector<1x16xf32> to vector<16xf32>
      %swap3A_119 = vector.shape_cast %broadcast_in_dim3A_1 : vector<16xf32> to vector<1x16xf32>
      tpu.vector_store %arg10[%swap3A_115, %swap3A_116], %swap3A_119 {strides = array<i32>} : memref<128x128xf32, #tpu.memory_space<vmem>>, vector<1x16xf32>,
      %swap3A_120 = arith.index_cast %scan3A_105 : i32 to index
      %swap3A_121 = arith.constant 48 : index
      %swap3A_122 = tpu.vector_load %arg10[%swap3A_120, %swap3A_121] {strides = array<i32>} : memref<128x128xf32, #tpu.memory_space<vmem>>, vector<1x16xf32>,
      %swap3A_123 = vector.shape_cast %swap3A_122 : vector<1x16xf32> to vector<16xf32>
      %swap3A_124 = vector.shape_cast %broadcast_in_dim3A_1 : vector<16xf32> to vector<1x16xf32>
      tpu.vector_store %arg10[%swap3A_120, %swap3A_121], %swap3A_124 {strides = array<i32>} : memref<128x128xf32, #tpu.memory_space<vmem>>, vector<1x16xf32>,
      %swap3A_125 = arith.index_cast %scan3A_105 : i32 to index
      %swap3A_126 = arith.constant 64 : index
      %swap3A_127 = tpu.vector_load %arg10[%swap3A_125, %swap3A_126] {strides = array<i32>} : memref<128x128xf32, #tpu.memory_space<vmem>>, vector<1x16xf32>,
      %swap3A_128 = vector.shape_cast %swap3A_127 : vector<1x16xf32> to vector<16xf32>
      %swap3A_129 = vector.shape_cast %broadcast_in_dim3A_1 : vector<16xf32> to vector<1x16xf32>
      tpu.vector_store %arg10[%swap3A_125, %swap3A_126], %swap3A_129 {strides = array<i32>} : memref<128x128xf32, #tpu.memory_space<vmem>>, vector<1x16xf32>,
      %swap3A_130 = arith.index_cast %scan3A_105 : i32 to index
      %swap3A_131 = arith.constant 80 : index
      %swap3A_132 = tpu.vector_load %arg10[%swap3A_130, %swap3A_131] {strides = array<i32>} : memref<128x128xf32, #tpu.memory_space<vmem>>, vector<1x16xf32>,
      %swap3A_133 = vector.shape_cast %swap3A_132 : vector<1x16xf32> to vector<16xf32>
      %swap3A_134 = vector.shape_cast %broadcast_in_dim3A_1 : vector<16xf32> to vector<1x16xf32>
      tpu.vector_store %arg10[%swap3A_130, %swap3A_131], %swap3A_134 {strides = array<i32>} : memref<128x128xf32, #tpu.memory_space<vmem>>, vector<1x16xf32>,
      %swap3A_135 = arith.index_cast %scan3A_105 : i32 to index
      %swap3A_136 = arith.constant 96 : index
      %swap3A_137 = tpu.vector_load %arg10[%swap3A_135, %swap3A_136] {strides = array<i32>} : memref<128x128xf32, #tpu.memory_space<vmem>>, vector<1x16xf32>,
      %swap3A_138 = vector.shape_cast %swap3A_137 : vector<1x16xf32> to vector<16xf32>
      %swap3A_139 = vector.shape_cast %broadcast_in_dim3A_1 : vector<16xf32> to vector<1x16xf32>
      tpu.vector_store %arg10[%swap3A_135, %swap3A_136], %swap3A_139 {strides = array<i32>} : memref<128x128xf32, #tpu.memory_space<vmem>>, vector<1x16xf32>,
      %swap3A_140 = arith.index_cast %scan3A_105 : i32 to index
      %swap3A_141 = arith.constant 112 : index
      %swap3A_142 = tpu.vector_load %arg10[%swap3A_140, %swap3A_141] {strides = array<i32>} : memref<128x128xf32, #tpu.memory_space<vmem>>, vector<1x16xf32>,
      %swap3A_143 = vector.shape_cast %swap3A_142 : vector<1x16xf32> to vector<16xf32>
      %swap3A_144 = vector.shape_cast %broadcast_in_dim3A_1 : vector<16xf32> to vector<1x16xf32>
      tpu.vector_store %arg10[%swap3A_140, %swap3A_141], %swap3A_144 {strides = array<i32>} : memref<128x128xf32, #tpu.memory_space<vmem>>, vector<1x16xf32>,
    }
    %scan3A_6 = arith.constant 80 : i32
    %lt3A = arith.constant 13 : i32
    %lt3A_7 = arith.cmpi slt, %arg1, %lt3A : i32
    %jit3A = arith.constant 1 : i32
    %jit3A_8 = arith.constant 0 : i32
    %select_n3A = arith.select %lt3A_7, %jit3A, %jit3A_8 : i32
    %add3A_9 = arith.constant 7 : i32
    %add3A_10 = arith.addi %add3A_9, %select_n3A : i32
    %while3A = arith.constant 0 : i32
    %while3A_11 = arith.constant 0 : i32
    %while3A_12 = arith.subi %add3A_10, %while3A_11 : i32
    %while3A_13 = arith.addi %while3A_11, %while3A_12 : i32
    %while3A_14 = arith.constant 1 : i32
    %while3A_15 = arith.divsi %while3A_12, %while3A_14 : i32
    %while3A_16 = arith.muli %while3A_15, %while3A_14 : i32
    %while3A_17 = arith.addi %while3A_11, %while3A_16 : i32
    %while3A_18 = arith.constant 1 : i32
    scf.for %while3A_105 = %while3A_11 to %while3A_17 step %while3A_18  : i32 {
      %mul3A_106 = arith.constant 16 : i32
      %mul3A_107 = arith.muli %while3A_105, %mul3A_106 : i32
      %add3A_108 = arith.addi %arg1, %mul3A_107 : i32
      %mul3A_109 = arith.constant 80 : i32
      %mul3A_110 = arith.muli %add3A_108, %mul3A_109 : i32
      %multiple_of3A_111 = tpu.assume_multiple %mul3A_110, 8 : i32
      "tpu.region"() ({
        %run_scoped3A = tpu.sem_alloc : memref<!tpu.dma_semaphore, #tpu.memory_space<semaphore_mem>>
        %dma_start3A_112 = arith.constant 0 : i32
        %dma_start3A_113 = arith.constant 0 : i32
        %dma_start3A_114 = tpu.memref_slice %arg10[%dma_start3A_112, %dma_start3A_113] : memref<128x128xf32, #tpu.memory_space<vmem>> -> memref<80x128xf32, #tpu.memory_space<vmem>>
        %dma_start3A_115 = arith.constant 0 : i32
        %dma_start3A_116 = tpu.memref_slice %arg12[%multiple_of3A_111, %dma_start3A_115] : memref<10000x128xf32, #tpu.memory_space<vmem_shared>> -> memref<80x128xf32, #tpu.memory_space<vmem_shared>>
        %dma_start3A_117 = arith.constant 0 : i32
        %dma_start3A_118 = tpu.memref_slice %arg12[%multiple_of3A_111, %dma_start3A_117] : memref<10000x128xf32, #tpu.memory_space<vmem_shared>> -> memref<80x128xf32, #tpu.memory_space<vmem_shared>>
        %dma_start3A_119 = arith.constant 0 : i32
        %dma_start3A_120 = arith.constant 0 : i32
        %dma_start3A_121 = tpu.memref_slice %arg10[%dma_start3A_119, %dma_start3A_120] : memref<128x128xf32, #tpu.memory_space<vmem>> -> memref<80x128xf32, #tpu.memory_space<vmem>>
        tpu.enqueue_dma source(%dma_start3A_121 : memref<80x128xf32, #tpu.memory_space<vmem>>) target(%dma_start3A_118 : memref<80x128xf32, #tpu.memory_space<vmem_shared>>) target_semaphore(%run_scoped3A : memref<!tpu.dma_semaphore, #tpu.memory_space<semaphore_mem>>)
        %dma_wait3A_122 = arith.constant 0 : i32
        %dma_wait3A_123 = arith.constant 0 : i32
        %dma_wait3A_124 = tpu.memref_slice %arg10[%dma_wait3A_122, %dma_wait3A_123] : memref<128x128xf32, #tpu.memory_space<vmem>> -> memref<80x128xf32, #tpu.memory_space<vmem>>
        %dma_wait3A_125 = arith.constant 0 : i32
        %dma_wait3A_126 = tpu.memref_slice %arg12[%multiple_of3A_111, %dma_wait3A_125] : memref<10000x128xf32, #tpu.memory_space<vmem_shared>> -> memref<80x128xf32, #tpu.memory_space<vmem_shared>>
        %dma_wait3A_127 = arith.constant 0 : i32
        %dma_wait3A_128 = tpu.memref_slice %arg12[%multiple_of3A_111, %dma_wait3A_127] : memref<10000x128xf32, #tpu.memory_space<vmem_shared>> -> memref<80x128xf32, #tpu.memory_space<vmem_shared>>
        %dma_wait3A_129 = arith.constant 0 : i32
        %dma_wait3A_130 = arith.constant 0 : i32
        %dma_wait3A_131 = tpu.memref_slice %arg10[%dma_wait3A_129, %dma_wait3A_130] : memref<128x128xf32, #tpu.memory_space<vmem>> -> memref<80x128xf32, #tpu.memory_space<vmem>>
        tpu.wait_dma2 semaphore(%run_scoped3A : memref<!tpu.dma_semaphore, #tpu.memory_space<semaphore_mem>>) src(%dma_wait3A_131 : memref<80x128xf32, #tpu.memory_space<vmem>>) dst(%dma_wait3A_128 : memref<80x128xf32, #tpu.memory_space<vmem_shared>>)
        tpu.yield
      }) : () -> ()
    }
    %while3A_19 = arith.constant 1 : i32
    scf.for %while3A_105 = %while3A_17 to %while3A_13 step %while3A_19  : i32 {
      %mul3A_106 = arith.constant 16 : i32
      %mul3A_107 = arith.muli %while3A_105, %mul3A_106 : i32
      %add3A_108 = arith.addi %arg1, %mul3A_107 : i32
      %mul3A_109 = arith.constant 80 : i32
      %mul3A_110 = arith.muli %add3A_108, %mul3A_109 : i32
      %multiple_of3A_111 = tpu.assume_multiple %mul3A_110, 8 : i32
      "tpu.region"() ({
        %run_scoped3A = tpu.sem_alloc : memref<!tpu.dma_semaphore, #tpu.memory_space<semaphore_mem>>
        %dma_start3A_112 = arith.constant 0 : i32
        %dma_start3A_113 = arith.constant 0 : i32
        %dma_start3A_114 = tpu.memref_slice %arg10[%dma_start3A_112, %dma_start3A_113] : memref<128x128xf32, #tpu.memory_space<vmem>> -> memref<80x128xf32, #tpu.memory_space<vmem>>
        %dma_start3A_115 = arith.constant 0 : i32
        %dma_start3A_116 = tpu.memref_slice %arg12[%multiple_of3A_111, %dma_start3A_115] : memref<10000x128xf32, #tpu.memory_space<vmem_shared>> -> memref<80x128xf32, #tpu.memory_space<vmem_shared>>
        %dma_start3A_117 = arith.constant 0 : i32
        %dma_start3A_118 = tpu.memref_slice %arg12[%multiple_of3A_111, %dma_start3A_117] : memref<10000x128xf32, #tpu.memory_space<vmem_shared>> -> memref<80x128xf32, #tpu.memory_space<vmem_shared>>
        %dma_start3A_119 = arith.constant 0 : i32
        %dma_start3A_120 = arith.constant 0 : i32
        %dma_start3A_121 = tpu.memref_slice %arg10[%dma_start3A_119, %dma_start3A_120] : memref<128x128xf32, #tpu.memory_space<vmem>> -> memref<80x128xf32, #tpu.memory_space<vmem>>
        tpu.enqueue_dma source(%dma_start3A_121 : memref<80x128xf32, #tpu.memory_space<vmem>>) target(%dma_start3A_118 : memref<80x128xf32, #tpu.memory_space<vmem_shared>>) target_semaphore(%run_scoped3A : memref<!tpu.dma_semaphore, #tpu.memory_space<semaphore_mem>>)
        %dma_wait3A_122 = arith.constant 0 : i32
        %dma_wait3A_123 = arith.constant 0 : i32
        %dma_wait3A_124 = tpu.memref_slice %arg10[%dma_wait3A_122, %dma_wait3A_123] : memref<128x128xf32, #tpu.memory_space<vmem>> -> memref<80x128xf32, #tpu.memory_space<vmem>>
        %dma_wait3A_125 = arith.constant 0 : i32
        %dma_wait3A_126 = tpu.memref_slice %arg12[%multiple_of3A_111, %dma_wait3A_125] : memref<10000x128xf32, #tpu.memory_space<vmem_shared>> -> memref<80x128xf32, #tpu.memory_space<vmem_shared>>
        %dma_wait3A_127 = arith.constant 0 : i32
        %dma_wait3A_128 = tpu.memref_slice %arg12[%multiple_of3A_111, %dma_wait3A_127] : memref<10000x128xf32, #tpu.memory_space<vmem_shared>> -> memref<80x128xf32, #tpu.memory_space<vmem_shared>>
        %dma_wait3A_129 = arith.constant 0 : i32
        %dma_wait3A_130 = arith.constant 0 : i32
        %dma_wait3A_131 = tpu.memref_slice %arg10[%dma_wait3A_129, %dma_wait3A_130] : memref<128x128xf32, #tpu.memory_space<vmem>> -> memref<80x128xf32, #tpu.memory_space<vmem>>
        tpu.wait_dma2 semaphore(%run_scoped3A : memref<!tpu.dma_semaphore, #tpu.memory_space<semaphore_mem>>) src(%dma_wait3A_131 : memref<80x128xf32, #tpu.memory_space<vmem>>) dst(%dma_wait3A_128 : memref<80x128xf32, #tpu.memory_space<vmem_shared>>)
        tpu.yield
      }) : () -> ()
    }
    %barrier3A = arith.constant 0 : index
    tpu.barrier barrier_id(%barrier3A)
    %lt3A_20 = arith.constant 4 : i32
    %lt3A_21 = arith.cmpi slt, %add3A, %lt3A_20 : i32
    %jit3A_22 = arith.constant 1 : i32
    %jit3A_23 = arith.constant 0 : i32
    %select_n3A_24 = arith.select %lt3A_21, %jit3A_22, %jit3A_23 : i32
    %add3A_25 = arith.constant 78 : i32
    %add3A_26 = arith.addi %add3A_25, %select_n3A_24 : i32
    %add3A_27 = arith.constant 0 : i32
    %add3A_28 = arith.addi %add3A, %add3A_27 : i32
    %mul3A_29 = arith.constant 128 : i32
    %mul3A_30 = arith.muli %add3A_28, %mul3A_29 : i32
    %multiple_of3A = tpu.assume_multiple %mul3A_30, 8 : i32
    %dma_start3A = tpu.memref_slice %arg3[%multiple_of3A] : memref<320000xi32, #tpu.memory_space<hbm>> -> memref<128xi32, #tpu.memory_space<hbm>>
    %dma_start3A_31 = tpu.memref_slice %arg3[%multiple_of3A] : memref<320000xi32, #tpu.memory_space<hbm>> -> memref<128xi32, #tpu.memory_space<hbm>>
    tpu.enqueue_dma source(%dma_start3A_31 : memref<128xi32, #tpu.memory_space<hbm>>) target(%arg6 : memref<128xi32, #tpu.memory_space<vmem>>) target_semaphore(%arg15 : memref<!tpu.dma_semaphore, #tpu.memory_space<semaphore_mem>>)
    %dma_start3A_32 = tpu.memref_slice %arg4[%multiple_of3A] : memref<320000xi32, #tpu.memory_space<hbm>> -> memref<128xi32, #tpu.memory_space<hbm>>
    %dma_start3A_33 = tpu.memref_slice %arg4[%multiple_of3A] : memref<320000xi32, #tpu.memory_space<hbm>> -> memref<128xi32, #tpu.memory_space<hbm>>
    tpu.enqueue_dma source(%dma_start3A_33 : memref<128xi32, #tpu.memory_space<hbm>>) target(%arg7 : memref<128xi32, #tpu.memory_space<vmem>>) target_semaphore(%arg15 : memref<!tpu.dma_semaphore, #tpu.memory_space<semaphore_mem>>)
    %dma_wait3A = arith.constant 0 : i32
    %dma_wait3A_34 = tpu.memref_slice %arg3[%dma_wait3A] : memref<320000xi32, #tpu.memory_space<hbm>> -> memref<128xi32, #tpu.memory_space<hbm>>
    %dma_wait3A_35 = arith.constant 0 : i32
    %dma_wait3A_36 = tpu.memref_slice %arg3[%dma_wait3A_35] : memref<320000xi32, #tpu.memory_space<hbm>> -> memref<128xi32, #tpu.memory_space<hbm>>
    tpu.wait_dma2 semaphore(%arg15 : memref<!tpu.dma_semaphore, #tpu.memory_space<semaphore_mem>>) src(%dma_wait3A_36 : memref<128xi32, #tpu.memory_space<hbm>>) dst(%arg6 : memref<128xi32, #tpu.memory_space<vmem>>)
    %dma_wait3A_37 = arith.constant 0 : i32
    %dma_wait3A_38 = tpu.memref_slice %arg3[%dma_wait3A_37] : memref<320000xi32, #tpu.memory_space<hbm>> -> memref<128xi32, #tpu.memory_space<hbm>>
    %dma_wait3A_39 = arith.constant 0 : i32
    %dma_wait3A_40 = tpu.memref_slice %arg3[%dma_wait3A_39] : memref<320000xi32, #tpu.memory_space<hbm>> -> memref<128xi32, #tpu.memory_space<hbm>>
    tpu.wait_dma2 semaphore(%arg15 : memref<!tpu.dma_semaphore, #tpu.memory_space<semaphore_mem>>) src(%dma_wait3A_40 : memref<128xi32, #tpu.memory_space<hbm>>) dst(%arg7 : memref<128xi32, #tpu.memory_space<vmem>>)
    %dma_start3A_41 = arith.constant 0 : i32
    %dma_start3A_42 = arith.constant 0 : i32
    %dma_start3A_43 = tpu.memref_slice %arg2[%dma_start3A_41, %dma_start3A_42] : memref<10000x128xf32, #tpu.memory_space<hbm>> -> memref<10000x128xf32, #tpu.memory_space<hbm>>
    tpu.enqueue_indirect_dma source(%dma_start3A_43 : memref<10000x128xf32, #tpu.memory_space<hbm>>) target(%arg10 : memref<128x128xf32, #tpu.memory_space<vmem>>) offsets(%arg6 : memref<128xi32, #tpu.memory_space<vmem>>) semaphore(%arg13 : memref<!tpu.dma_semaphore, #tpu.memory_space<semaphore_mem>>)
    %gt3A = arith.constant 1 : i32
    %gt3A_44 = arith.cmpi sgt, %add3A_26, %gt3A : i32
    %convert_element_type3A = arith.extui %gt3A_44 : i1 to i32
    %cond3A = arith.constant 0 : i32
    %cond3A_45 = arith.cmpi ne, %convert_element_type3A, %cond3A : i32
    scf.if %cond3A_45 {
      %add3A_105 = arith.constant 32 : i32
      %add3A_106 = arith.addi %add3A, %add3A_105 : i32
      %mul3A_107 = arith.constant 128 : i32
      %mul3A_108 = arith.muli %add3A_106, %mul3A_107 : i32
      %multiple_of3A_109 = tpu.assume_multiple %mul3A_108, 8 : i32
      %dma_start3A_110 = tpu.memref_slice %arg3[%multiple_of3A_109] : memref<320000xi32, #tpu.memory_space<hbm>> -> memref<128xi32, #tpu.memory_space<hbm>>
      %dma_start3A_111 = tpu.memref_slice %arg3[%multiple_of3A_109] : memref<320000xi32, #tpu.memory_space<hbm>> -> memref<128xi32, #tpu.memory_space<hbm>>
      tpu.enqueue_dma source(%dma_start3A_111 : memref<128xi32, #tpu.memory_space<hbm>>) target(%arg8 : memref<128xi32, #tpu.memory_space<vmem>>) target_semaphore(%arg16 : memref<!tpu.dma_semaphore, #tpu.memory_space<semaphore_mem>>)
      %dma_start3A_112 = tpu.memref_slice %arg4[%multiple_of3A_109] : memref<320000xi32, #tpu.memory_space<hbm>> -> memref<128xi32, #tpu.memory_space<hbm>>
      %dma_start3A_113 = tpu.memref_slice %arg4[%multiple_of3A_109] : memref<320000xi32, #tpu.memory_space<hbm>> -> memref<128xi32, #tpu.memory_space<hbm>>
      tpu.enqueue_dma source(%dma_start3A_113 : memref<128xi32, #tpu.memory_space<hbm>>) target(%arg9 : memref<128xi32, #tpu.memory_space<vmem>>) target_semaphore(%arg16 : memref<!tpu.dma_semaphore, #tpu.memory_space<semaphore_mem>>)
    } else {
    }
    %jit3A_46 = arith.constant 2 : i32
    %div3A = arith.divsi %add3A_26, %jit3A_46 : i32
    %sign3A = arith.constant 0 : i32
    %sign3A_47 = arith.cmpi sgt, %add3A_26, %sign3A : i32
    %sign3A_48 = arith.extui %sign3A_47 : i1 to i32
    %sign3A_49 = arith.constant 0 : i32
    %sign3A_50 = arith.cmpi slt, %add3A_26, %sign3A_49 : i32
    %sign3A_51 = arith.extui %sign3A_50 : i1 to i32
    %sign3A_52 = arith.subi %sign3A_48, %sign3A_51 : i32
    %sign3A_53 = arith.constant 0 : i32
    %sign3A_54 = arith.cmpi sgt, %jit3A_46, %sign3A_53 : i32
    %sign3A_55 = arith.extui %sign3A_54 : i1 to i32
    %sign3A_56 = arith.constant 0 : i32
    %sign3A_57 = arith.cmpi slt, %jit3A_46, %sign3A_56 : i32
    %sign3A_58 = arith.extui %sign3A_57 : i1 to i32
    %sign3A_59 = arith.subi %sign3A_55, %sign3A_58 : i32
    %ne3A = arith.cmpi ne, %sign3A_52, %sign3A_59 : i32
    %rem3A = arith.remsi %add3A_26, %jit3A_46 : i32
    %ne3A_60 = arith.constant 0 : i32
    %ne3A_61 = arith.cmpi ne, %rem3A, %ne3A_60 : i32
    %and3A = arith.andi %ne3A, %ne3A_61 : i1
    %sub3A = arith.constant 1 : i32
    %sub3A_62 = arith.subi %div3A, %sub3A : i32
    %select_n3A_63 = arith.select %and3A, %sub3A_62, %div3A : i32
    %while3A_64 = arith.constant 0 : i32
    %while3A_65 = arith.constant 0 : i32
    %while3A_66 = arith.subi %select_n3A_63, %while3A_65 : i32
    %while3A_67 = arith.addi %while3A_65, %while3A_66 : i32
    %while3A_68 = arith.constant 1 : i32
    %while3A_69 = arith.divsi %while3A_66, %while3A_68 : i32
    %while3A_70 = arith.muli %while3A_69, %while3A_68 : i32
    %while3A_71 = arith.addi %while3A_65, %while3A_70 : i32
    %while3A_72 = arith.constant 1 : i32
    scf.for %while3A_105 = %while3A_65 to %while3A_71 step %while3A_72  : i32 {
      %mul3A_106 = arith.constant 2 : i32
      %mul3A_107 = arith.muli %mul3A_106, %while3A_105 : i32
      %dma_wait3A_108 = arith.constant 0 : i32
      %dma_wait3A_109 = tpu.memref_slice %arg3[%dma_wait3A_108] : memref<320000xi32, #tpu.memory_space<hbm>> -> memref<128xi32, #tpu.memory_space<hbm>>
      %dma_wait3A_110 = arith.constant 0 : i32
      %dma_wait3A_111 = tpu.memref_slice %arg3[%dma_wait3A_110] : memref<320000xi32, #tpu.memory_space<hbm>> -> memref<128xi32, #tpu.memory_space<hbm>>
      tpu.wait_dma2 semaphore(%arg16 : memref<!tpu.dma_semaphore, #tpu.memory_space<semaphore_mem>>) src(%dma_wait3A_111 : memref<128xi32, #tpu.memory_space<hbm>>) dst(%arg8 : memref<128xi32, #tpu.memory_space<vmem>>)
      %dma_wait3A_112 = arith.constant 0 : i32
      %dma_wait3A_113 = tpu.memref_slice %arg3[%dma_wait3A_112] : memref<320000xi32, #tpu.memory_space<hbm>> -> memref<128xi32, #tpu.memory_space<hbm>>
      %dma_wait3A_114 = arith.constant 0 : i32
      %dma_wait3A_115 = tpu.memref_slice %arg3[%dma_wait3A_114] : memref<320000xi32, #tpu.memory_space<hbm>> -> memref<128xi32, #tpu.memory_space<hbm>>
      tpu.wait_dma2 semaphore(%arg16 : memref<!tpu.dma_semaphore, #tpu.memory_space<semaphore_mem>>) src(%dma_wait3A_115 : memref<128xi32, #tpu.memory_space<hbm>>) dst(%arg9 : memref<128xi32, #tpu.memory_space<vmem>>)
      %dma_start3A_116 = arith.constant 0 : i32
      %dma_start3A_117 = arith.constant 0 : i32
      %dma_start3A_118 = tpu.memref_slice %arg2[%dma_start3A_116, %dma_start3A_117] : memref<10000x128xf32, #tpu.memory_space<hbm>> -> memref<10000x128xf32, #tpu.memory_space<hbm>>
      tpu.enqueue_indirect_dma source(%dma_start3A_118 : memref<10000x128xf32, #tpu.memory_space<hbm>>) target(%arg11 : memref<128x128xf32, #tpu.memory_space<vmem>>) offsets(%arg8 : memref<128xi32, #tpu.memory_space<vmem>>) semaphore(%arg14 : memref<!tpu.dma_semaphore, #tpu.memory_space<semaphore_mem>>)
      %dma_wait3A_119 = arith.constant 0 : i32
      %dma_wait3A_120 = arith.constant 0 : i32
      %dma_wait3A_121 = tpu.memref_slice %arg2[%dma_wait3A_119, %dma_wait3A_120] : memref<10000x128xf32, #tpu.memory_space<hbm>> -> memref<128x128xf32, #tpu.memory_space<hbm>>
      %dma_wait3A_122 = arith.constant 0 : i32
      %dma_wait3A_123 = arith.constant 0 : i32
      %dma_wait3A_124 = tpu.memref_slice %arg2[%dma_wait3A_122, %dma_wait3A_123] : memref<10000x128xf32, #tpu.memory_space<hbm>> -> memref<128x128xf32, #tpu.memory_space<hbm>>
      tpu.wait_dma2 semaphore(%arg13 : memref<!tpu.dma_semaphore, #tpu.memory_space<semaphore_mem>>) src(%dma_wait3A_124 : memref<128x128xf32, #tpu.memory_space<hbm>>) dst(%arg10 : memref<128x128xf32, #tpu.memory_space<vmem>>)
      %dma_start3A_125 = arith.constant 0 : i32
      %dma_start3A_126 = arith.constant 0 : i32
      %dma_start3A_127 = tpu.memref_slice %arg12[%dma_start3A_125, %dma_start3A_126] : memref<10000x128xf32, #tpu.memory_space<vmem_shared>> -> memref<10000x128xf32, #tpu.memory_space<vmem_shared>>
      tpu.enqueue_indirect_dma source(%arg10 : memref<128x128xf32, #tpu.memory_space<vmem>>) target(%dma_start3A_127 : memref<10000x128xf32, #tpu.memory_space<vmem_shared>>) offsets(%arg7 : memref<128xi32, #tpu.memory_space<vmem>>) semaphore(%arg17 : memref<!tpu.dma_semaphore, #tpu.memory_space<semaphore_mem>>) {add = true}
      %dma_wait3A_128 = arith.constant 0 : i32
      %dma_wait3A_129 = arith.constant 0 : i32
      %dma_wait3A_130 = tpu.memref_slice %arg2[%dma_wait3A_128, %dma_wait3A_129] : memref<10000x128xf32, #tpu.memory_space<hbm>> -> memref<128x128xf32, #tpu.memory_space<hbm>>
      %dma_wait3A_131 = arith.constant 0 : i32
      %dma_wait3A_132 = arith.constant 0 : i32
      %dma_wait3A_133 = tpu.memref_slice %arg2[%dma_wait3A_131, %dma_wait3A_132] : memref<10000x128xf32, #tpu.memory_space<hbm>> -> memref<128x128xf32, #tpu.memory_space<hbm>>
      tpu.wait_dma2 semaphore(%arg14 : memref<!tpu.dma_semaphore, #tpu.memory_space<semaphore_mem>>) src(%dma_wait3A_133 : memref<128x128xf32, #tpu.memory_space<hbm>>) dst(%arg11 : memref<128x128xf32, #tpu.memory_space<vmem>>)
      %dma_start3A_134 = arith.constant 0 : i32
      %dma_start3A_135 = arith.constant 0 : i32
      %dma_start3A_136 = tpu.memref_slice %arg12[%dma_start3A_134, %dma_start3A_135] : memref<10000x128xf32, #tpu.memory_space<vmem_shared>> -> memref<10000x128xf32, #tpu.memory_space<vmem_shared>>
      tpu.enqueue_indirect_dma source(%arg11 : memref<128x128xf32, #tpu.memory_space<vmem>>) target(%dma_start3A_136 : memref<10000x128xf32, #tpu.memory_space<vmem_shared>>) offsets(%arg9 : memref<128xi32, #tpu.memory_space<vmem>>) semaphore(%arg18 : memref<!tpu.dma_semaphore, #tpu.memory_space<semaphore_mem>>) {add = true}
      %dma_wait3A_137 = arith.constant 0 : i32
      %dma_wait3A_138 = arith.constant 0 : i32
      %dma_wait3A_139 = tpu.memref_slice %arg2[%dma_wait3A_137, %dma_wait3A_138] : memref<10000x128xf32, #tpu.memory_space<hbm>> -> memref<128x128xf32, #tpu.memory_space<hbm>>
      %dma_wait3A_140 = arith.constant 0 : i32
      %dma_wait3A_141 = arith.constant 0 : i32
      %dma_wait3A_142 = tpu.memref_slice %arg2[%dma_wait3A_140, %dma_wait3A_141] : memref<10000x128xf32, #tpu.memory_space<hbm>> -> memref<128x128xf32, #tpu.memory_space<hbm>>
      tpu.wait_dma2 semaphore(%arg17 : memref<!tpu.dma_semaphore, #tpu.memory_space<semaphore_mem>>) src(%dma_wait3A_142 : memref<128x128xf32, #tpu.memory_space<hbm>>) dst(%arg10 : memref<128x128xf32, #tpu.memory_space<vmem>>)
      %add3A_143 = arith.constant 2 : i32
      %add3A_144 = arith.addi %mul3A_107, %add3A_143 : i32
      %lt3A_145 = arith.cmpi slt, %add3A_144, %add3A_26 : i32
      %convert_element_type3A_146 = arith.extui %lt3A_145 : i1 to i32
      %cond3A_147 = arith.constant 0 : i32
      %cond3A_148 = arith.cmpi ne, %convert_element_type3A_146, %cond3A_147 : i32
      scf.if %cond3A_148 {
        %add3A_161 = arith.constant 2 : i32
        %add3A_162 = arith.addi %mul3A_107, %add3A_161 : i32
        %mul3A_163 = arith.constant 32 : i32
        %mul3A_164 = arith.muli %add3A_162, %mul3A_163 : i32
        %add3A_165 = arith.addi %add3A, %mul3A_164 : i32
        %mul3A_166 = arith.constant 128 : i32
        %mul3A_167 = arith.muli %add3A_165, %mul3A_166 : i32
        %multiple_of3A_168 = tpu.assume_multiple %mul3A_167, 8 : i32
        %dma_start3A_169 = tpu.memref_slice %arg3[%multiple_of3A_168] : memref<320000xi32, #tpu.memory_space<hbm>> -> memref<128xi32, #tpu.memory_space<hbm>>
        %dma_start3A_170 = tpu.memref_slice %arg3[%multiple_of3A_168] : memref<320000xi32, #tpu.memory_space<hbm>> -> memref<128xi32, #tpu.memory_space<hbm>>
        tpu.enqueue_dma source(%dma_start3A_170 : memref<128xi32, #tpu.memory_space<hbm>>) target(%arg6 : memref<128xi32, #tpu.memory_space<vmem>>) target_semaphore(%arg15 : memref<!tpu.dma_semaphore, #tpu.memory_space<semaphore_mem>>)
        %dma_start3A_171 = tpu.memref_slice %arg4[%multiple_of3A_168] : memref<320000xi32, #tpu.memory_space<hbm>> -> memref<128xi32, #tpu.memory_space<hbm>>
        %dma_start3A_172 = tpu.memref_slice %arg4[%multiple_of3A_168] : memref<320000xi32, #tpu.memory_space<hbm>> -> memref<128xi32, #tpu.memory_space<hbm>>
        tpu.enqueue_dma source(%dma_start3A_172 : memref<128xi32, #tpu.memory_space<hbm>>) target(%arg7 : memref<128xi32, #tpu.memory_space<vmem>>) target_semaphore(%arg15 : memref<!tpu.dma_semaphore, #tpu.memory_space<semaphore_mem>>)
        %dma_wait3A_173 = arith.constant 0 : i32
        %dma_wait3A_174 = tpu.memref_slice %arg3[%dma_wait3A_173] : memref<320000xi32, #tpu.memory_space<hbm>> -> memref<128xi32, #tpu.memory_space<hbm>>
        %dma_wait3A_175 = arith.constant 0 : i32
        %dma_wait3A_176 = tpu.memref_slice %arg3[%dma_wait3A_175] : memref<320000xi32, #tpu.memory_space<hbm>> -> memref<128xi32, #tpu.memory_space<hbm>>
        tpu.wait_dma2 semaphore(%arg15 : memref<!tpu.dma_semaphore, #tpu.memory_space<semaphore_mem>>) src(%dma_wait3A_176 : memref<128xi32, #tpu.memory_space<hbm>>) dst(%arg6 : memref<128xi32, #tpu.memory_space<vmem>>)
        %dma_wait3A_177 = arith.constant 0 : i32
        %dma_wait3A_178 = tpu.memref_slice %arg3[%dma_wait3A_177] : memref<320000xi32, #tpu.memory_space<hbm>> -> memref<128xi32, #tpu.memory_space<hbm>>
        %dma_wait3A_179 = arith.constant 0 : i32
        %dma_wait3A_180 = tpu.memref_slice %arg3[%dma_wait3A_179] : memref<320000xi32, #tpu.memory_space<hbm>> -> memref<128xi32, #tpu.memory_space<hbm>>
        tpu.wait_dma2 semaphore(%arg15 : memref<!tpu.dma_semaphore, #tpu.memory_space<semaphore_mem>>) src(%dma_wait3A_180 : memref<128xi32, #tpu.memory_space<hbm>>) dst(%arg7 : memref<128xi32, #tpu.memory_space<vmem>>)
        %dma_start3A_181 = arith.constant 0 : i32
        %dma_start3A_182 = arith.constant 0 : i32
        %dma_start3A_183 = tpu.memref_slice %arg2[%dma_start3A_181, %dma_start3A_182] : memref<10000x128xf32, #tpu.memory_space<hbm>> -> memref<10000x128xf32, #tpu.memory_space<hbm>>
        tpu.enqueue_indirect_dma source(%dma_start3A_183 : memref<10000x128xf32, #tpu.memory_space<hbm>>) target(%arg10 : memref<128x128xf32, #tpu.memory_space<vmem>>) offsets(%arg6 : memref<128xi32, #tpu.memory_space<vmem>>) semaphore(%arg13 : memref<!tpu.dma_semaphore, #tpu.memory_space<semaphore_mem>>)
      } else {
      }
      %dma_wait3A_149 = arith.constant 0 : i32
      %dma_wait3A_150 = arith.constant 0 : i32
      %dma_wait3A_151 = tpu.memref_slice %arg2[%dma_wait3A_149, %dma_wait3A_150] : memref<10000x128xf32, #tpu.memory_space<hbm>> -> memref<128x128xf32, #tpu.memory_space<hbm>>
      %dma_wait3A_152 = arith.constant 0 : i32
      %dma_wait3A_153 = arith.constant 0 : i32
      %dma_wait3A_154 = tpu.memref_slice %arg2[%dma_wait3A_152, %dma_wait3A_153] : memref<10000x128xf32, #tpu.memory_space<hbm>> -> memref<128x128xf32, #tpu.memory_space<hbm>>
      tpu.wait_dma2 semaphore(%arg18 : memref<!tpu.dma_semaphore, #tpu.memory_space<semaphore_mem>>) src(%dma_wait3A_154 : memref<128x128xf32, #tpu.memory_space<hbm>>) dst(%arg11 : memref<128x128xf32, #tpu.memory_space<vmem>>)
      %add3A_155 = arith.constant 3 : i32
      %add3A_156 = arith.addi %mul3A_107, %add3A_155 : i32
      %lt3A_157 = arith.cmpi slt, %add3A_156, %add3A_26 : i32
      %convert_element_type3A_158 = arith.extui %lt3A_157 : i1 to i32
      %cond3A_159 = arith.constant 0 : i32
      %cond3A_160 = arith.cmpi ne, %convert_element_type3A_158, %cond3A_159 : i32
      scf.if %cond3A_160 {
        %add3A_161 = arith.constant 3 : i32
        %add3A_162 = arith.addi %mul3A_107, %add3A_161 : i32
        %mul3A_163 = arith.constant 32 : i32
        %mul3A_164 = arith.muli %add3A_162, %mul3A_163 : i32
        %add3A_165 = arith.addi %add3A, %mul3A_164 : i32
        %mul3A_166 = arith.constant 128 : i32
        %mul3A_167 = arith.muli %add3A_165, %mul3A_166 : i32
        %multiple_of3A_168 = tpu.assume_multiple %mul3A_167, 8 : i32
        %dma_start3A_169 = tpu.memref_slice %arg3[%multiple_of3A_168] : memref<320000xi32, #tpu.memory_space<hbm>> -> memref<128xi32, #tpu.memory_space<hbm>>
        %dma_start3A_170 = tpu.memref_slice %arg3[%multiple_of3A_168] : memref<320000xi32, #tpu.memory_space<hbm>> -> memref<128xi32, #tpu.memory_space<hbm>>
        tpu.enqueue_dma source(%dma_start3A_170 : memref<128xi32, #tpu.memory_space<hbm>>) target(%arg8 : memref<128xi32, #tpu.memory_space<vmem>>) target_semaphore(%arg16 : memref<!tpu.dma_semaphore, #tpu.memory_space<semaphore_mem>>)
        %dma_start3A_171 = tpu.memref_slice %arg4[%multiple_of3A_168] : memref<320000xi32, #tpu.memory_space<hbm>> -> memref<128xi32, #tpu.memory_space<hbm>>
        %dma_start3A_172 = tpu.memref_slice %arg4[%multiple_of3A_168] : memref<320000xi32, #tpu.memory_space<hbm>> -> memref<128xi32, #tpu.memory_space<hbm>>
        tpu.enqueue_dma source(%dma_start3A_172 : memref<128xi32, #tpu.memory_space<hbm>>) target(%arg9 : memref<128xi32, #tpu.memory_space<vmem>>) target_semaphore(%arg16 : memref<!tpu.dma_semaphore, #tpu.memory_space<semaphore_mem>>)
      } else {
      }
    }
    %while3A_73 = arith.constant 1 : i32
    scf.for %while3A_105 = %while3A_71 to %while3A_67 step %while3A_73  : i32 {
      %mul3A_106 = arith.constant 2 : i32
      %mul3A_107 = arith.muli %mul3A_106, %while3A_105 : i32
      %dma_wait3A_108 = arith.constant 0 : i32
      %dma_wait3A_109 = tpu.memref_slice %arg3[%dma_wait3A_108] : memref<320000xi32, #tpu.memory_space<hbm>> -> memref<128xi32, #tpu.memory_space<hbm>>
      %dma_wait3A_110 = arith.constant 0 : i32
      %dma_wait3A_111 = tpu.memref_slice %arg3[%dma_wait3A_110] : memref<320000xi32, #tpu.memory_space<hbm>> -> memref<128xi32, #tpu.memory_space<hbm>>
      tpu.wait_dma2 semaphore(%arg16 : memref<!tpu.dma_semaphore, #tpu.memory_space<semaphore_mem>>) src(%dma_wait3A_111 : memref<128xi32, #tpu.memory_space<hbm>>) dst(%arg8 : memref<128xi32, #tpu.memory_space<vmem>>)
      %dma_wait3A_112 = arith.constant 0 : i32
      %dma_wait3A_113 = tpu.memref_slice %arg3[%dma_wait3A_112] : memref<320000xi32, #tpu.memory_space<hbm>> -> memref<128xi32, #tpu.memory_space<hbm>>
      %dma_wait3A_114 = arith.constant 0 : i32
      %dma_wait3A_115 = tpu.memref_slice %arg3[%dma_wait3A_114] : memref<320000xi32, #tpu.memory_space<hbm>> -> memref<128xi32, #tpu.memory_space<hbm>>
      tpu.wait_dma2 semaphore(%arg16 : memref<!tpu.dma_semaphore, #tpu.memory_space<semaphore_mem>>) src(%dma_wait3A_115 : memref<128xi32, #tpu.memory_space<hbm>>) dst(%arg9 : memref<128xi32, #tpu.memory_space<vmem>>)
      %dma_start3A_116 = arith.constant 0 : i32
      %dma_start3A_117 = arith.constant 0 : i32
      %dma_start3A_118 = tpu.memref_slice %arg2[%dma_start3A_116, %dma_start3A_117] : memref<10000x128xf32, #tpu.memory_space<hbm>> -> memref<10000x128xf32, #tpu.memory_space<hbm>>
      tpu.enqueue_indirect_dma source(%dma_start3A_118 : memref<10000x128xf32, #tpu.memory_space<hbm>>) target(%arg11 : memref<128x128xf32, #tpu.memory_space<vmem>>) offsets(%arg8 : memref<128xi32, #tpu.memory_space<vmem>>) semaphore(%arg14 : memref<!tpu.dma_semaphore, #tpu.memory_space<semaphore_mem>>)
      %dma_wait3A_119 = arith.constant 0 : i32
      %dma_wait3A_120 = arith.constant 0 : i32
      %dma_wait3A_121 = tpu.memref_slice %arg2[%dma_wait3A_119, %dma_wait3A_120] : memref<10000x128xf32, #tpu.memory_space<hbm>> -> memref<128x128xf32, #tpu.memory_space<hbm>>
      %dma_wait3A_122 = arith.constant 0 : i32
      %dma_wait3A_123 = arith.constant 0 : i32
      %dma_wait3A_124 = tpu.memref_slice %arg2[%dma_wait3A_122, %dma_wait3A_123] : memref<10000x128xf32, #tpu.memory_space<hbm>> -> memref<128x128xf32, #tpu.memory_space<hbm>>
      tpu.wait_dma2 semaphore(%arg13 : memref<!tpu.dma_semaphore, #tpu.memory_space<semaphore_mem>>) src(%dma_wait3A_124 : memref<128x128xf32, #tpu.memory_space<hbm>>) dst(%arg10 : memref<128x128xf32, #tpu.memory_space<vmem>>)
      %dma_start3A_125 = arith.constant 0 : i32
      %dma_start3A_126 = arith.constant 0 : i32
      %dma_start3A_127 = tpu.memref_slice %arg12[%dma_start3A_125, %dma_start3A_126] : memref<10000x128xf32, #tpu.memory_space<vmem_shared>> -> memref<10000x128xf32, #tpu.memory_space<vmem_shared>>
      tpu.enqueue_indirect_dma source(%arg10 : memref<128x128xf32, #tpu.memory_space<vmem>>) target(%dma_start3A_127 : memref<10000x128xf32, #tpu.memory_space<vmem_shared>>) offsets(%arg7 : memref<128xi32, #tpu.memory_space<vmem>>) semaphore(%arg17 : memref<!tpu.dma_semaphore, #tpu.memory_space<semaphore_mem>>) {add = true}
      %dma_wait3A_128 = arith.constant 0 : i32
      %dma_wait3A_129 = arith.constant 0 : i32
      %dma_wait3A_130 = tpu.memref_slice %arg2[%dma_wait3A_128, %dma_wait3A_129] : memref<10000x128xf32, #tpu.memory_space<hbm>> -> memref<128x128xf32, #tpu.memory_space<hbm>>
      %dma_wait3A_131 = arith.constant 0 : i32
      %dma_wait3A_132 = arith.constant 0 : i32
      %dma_wait3A_133 = tpu.memref_slice %arg2[%dma_wait3A_131, %dma_wait3A_132] : memref<10000x128xf32, #tpu.memory_space<hbm>> -> memref<128x128xf32, #tpu.memory_space<hbm>>
      tpu.wait_dma2 semaphore(%arg14 : memref<!tpu.dma_semaphore, #tpu.memory_space<semaphore_mem>>) src(%dma_wait3A_133 : memref<128x128xf32, #tpu.memory_space<hbm>>) dst(%arg11 : memref<128x128xf32, #tpu.memory_space<vmem>>)
      %dma_start3A_134 = arith.constant 0 : i32
      %dma_start3A_135 = arith.constant 0 : i32
      %dma_start3A_136 = tpu.memref_slice %arg12[%dma_start3A_134, %dma_start3A_135] : memref<10000x128xf32, #tpu.memory_space<vmem_shared>> -> memref<10000x128xf32, #tpu.memory_space<vmem_shared>>
      tpu.enqueue_indirect_dma source(%arg11 : memref<128x128xf32, #tpu.memory_space<vmem>>) target(%dma_start3A_136 : memref<10000x128xf32, #tpu.memory_space<vmem_shared>>) offsets(%arg9 : memref<128xi32, #tpu.memory_space<vmem>>) semaphore(%arg18 : memref<!tpu.dma_semaphore, #tpu.memory_space<semaphore_mem>>) {add = true}
      %dma_wait3A_137 = arith.constant 0 : i32
      %dma_wait3A_138 = arith.constant 0 : i32
      %dma_wait3A_139 = tpu.memref_slice %arg2[%dma_wait3A_137, %dma_wait3A_138] : memref<10000x128xf32, #tpu.memory_space<hbm>> -> memref<128x128xf32, #tpu.memory_space<hbm>>
      %dma_wait3A_140 = arith.constant 0 : i32
      %dma_wait3A_141 = arith.constant 0 : i32
      %dma_wait3A_142 = tpu.memref_slice %arg2[%dma_wait3A_140, %dma_wait3A_141] : memref<10000x128xf32, #tpu.memory_space<hbm>> -> memref<128x128xf32, #tpu.memory_space<hbm>>
      tpu.wait_dma2 semaphore(%arg17 : memref<!tpu.dma_semaphore, #tpu.memory_space<semaphore_mem>>) src(%dma_wait3A_142 : memref<128x128xf32, #tpu.memory_space<hbm>>) dst(%arg10 : memref<128x128xf32, #tpu.memory_space<vmem>>)
      %add3A_143 = arith.constant 2 : i32
      %add3A_144 = arith.addi %mul3A_107, %add3A_143 : i32
      %lt3A_145 = arith.cmpi slt, %add3A_144, %add3A_26 : i32
      %convert_element_type3A_146 = arith.extui %lt3A_145 : i1 to i32
      %cond3A_147 = arith.constant 0 : i32
      %cond3A_148 = arith.cmpi ne, %convert_element_type3A_146, %cond3A_147 : i32
      scf.if %cond3A_148 {
        %add3A_161 = arith.constant 2 : i32
        %add3A_162 = arith.addi %mul3A_107, %add3A_161 : i32
        %mul3A_163 = arith.constant 32 : i32
        %mul3A_164 = arith.muli %add3A_162, %mul3A_163 : i32
        %add3A_165 = arith.addi %add3A, %mul3A_164 : i32
        %mul3A_166 = arith.constant 128 : i32
        %mul3A_167 = arith.muli %add3A_165, %mul3A_166 : i32
        %multiple_of3A_168 = tpu.assume_multiple %mul3A_167, 8 : i32
        %dma_start3A_169 = tpu.memref_slice %arg3[%multiple_of3A_168] : memref<320000xi32, #tpu.memory_space<hbm>> -> memref<128xi32, #tpu.memory_space<hbm>>
        %dma_start3A_170 = tpu.memref_slice %arg3[%multiple_of3A_168] : memref<320000xi32, #tpu.memory_space<hbm>> -> memref<128xi32, #tpu.memory_space<hbm>>
        tpu.enqueue_dma source(%dma_start3A_170 : memref<128xi32, #tpu.memory_space<hbm>>) target(%arg6 : memref<128xi32, #tpu.memory_space<vmem>>) target_semaphore(%arg15 : memref<!tpu.dma_semaphore, #tpu.memory_space<semaphore_mem>>)
        %dma_start3A_171 = tpu.memref_slice %arg4[%multiple_of3A_168] : memref<320000xi32, #tpu.memory_space<hbm>> -> memref<128xi32, #tpu.memory_space<hbm>>
        %dma_start3A_172 = tpu.memref_slice %arg4[%multiple_of3A_168] : memref<320000xi32, #tpu.memory_space<hbm>> -> memref<128xi32, #tpu.memory_space<hbm>>
        tpu.enqueue_dma source(%dma_start3A_172 : memref<128xi32, #tpu.memory_space<hbm>>) target(%arg7 : memref<128xi32, #tpu.memory_space<vmem>>) target_semaphore(%arg15 : memref<!tpu.dma_semaphore, #tpu.memory_space<semaphore_mem>>)
        %dma_wait3A_173 = arith.constant 0 : i32
        %dma_wait3A_174 = tpu.memref_slice %arg3[%dma_wait3A_173] : memref<320000xi32, #tpu.memory_space<hbm>> -> memref<128xi32, #tpu.memory_space<hbm>>
        %dma_wait3A_175 = arith.constant 0 : i32
        %dma_wait3A_176 = tpu.memref_slice %arg3[%dma_wait3A_175] : memref<320000xi32, #tpu.memory_space<hbm>> -> memref<128xi32, #tpu.memory_space<hbm>>
        tpu.wait_dma2 semaphore(%arg15 : memref<!tpu.dma_semaphore, #tpu.memory_space<semaphore_mem>>) src(%dma_wait3A_176 : memref<128xi32, #tpu.memory_space<hbm>>) dst(%arg6 : memref<128xi32, #tpu.memory_space<vmem>>)
        %dma_wait3A_177 = arith.constant 0 : i32
        %dma_wait3A_178 = tpu.memref_slice %arg3[%dma_wait3A_177] : memref<320000xi32, #tpu.memory_space<hbm>> -> memref<128xi32, #tpu.memory_space<hbm>>
        %dma_wait3A_179 = arith.constant 0 : i32
        %dma_wait3A_180 = tpu.memref_slice %arg3[%dma_wait3A_179] : memref<320000xi32, #tpu.memory_space<hbm>> -> memref<128xi32, #tpu.memory_space<hbm>>
        tpu.wait_dma2 semaphore(%arg15 : memref<!tpu.dma_semaphore, #tpu.memory_space<semaphore_mem>>) src(%dma_wait3A_180 : memref<128xi32, #tpu.memory_space<hbm>>) dst(%arg7 : memref<128xi32, #tpu.memory_space<vmem>>)
        %dma_start3A_181 = arith.constant 0 : i32
        %dma_start3A_182 = arith.constant 0 : i32
        %dma_start3A_183 = tpu.memref_slice %arg2[%dma_start3A_181, %dma_start3A_182] : memref<10000x128xf32, #tpu.memory_space<hbm>> -> memref<10000x128xf32, #tpu.memory_space<hbm>>
        tpu.enqueue_indirect_dma source(%dma_start3A_183 : memref<10000x128xf32, #tpu.memory_space<hbm>>) target(%arg10 : memref<128x128xf32, #tpu.memory_space<vmem>>) offsets(%arg6 : memref<128xi32, #tpu.memory_space<vmem>>) semaphore(%arg13 : memref<!tpu.dma_semaphore, #tpu.memory_space<semaphore_mem>>)
      } else {
      }
      %dma_wait3A_149 = arith.constant 0 : i32
      %dma_wait3A_150 = arith.constant 0 : i32
      %dma_wait3A_151 = tpu.memref_slice %arg2[%dma_wait3A_149, %dma_wait3A_150] : memref<10000x128xf32, #tpu.memory_space<hbm>> -> memref<128x128xf32, #tpu.memory_space<hbm>>
      %dma_wait3A_152 = arith.constant 0 : i32
      %dma_wait3A_153 = arith.constant 0 : i32
      %dma_wait3A_154 = tpu.memref_slice %arg2[%dma_wait3A_152, %dma_wait3A_153] : memref<10000x128xf32, #tpu.memory_space<hbm>> -> memref<128x128xf32, #tpu.memory_space<hbm>>
      tpu.wait_dma2 semaphore(%arg18 : memref<!tpu.dma_semaphore, #tpu.memory_space<semaphore_mem>>) src(%dma_wait3A_154 : memref<128x128xf32, #tpu.memory_space<hbm>>) dst(%arg11 : memref<128x128xf32, #tpu.memory_space<vmem>>)
      %add3A_155 = arith.constant 3 : i32
      %add3A_156 = arith.addi %mul3A_107, %add3A_155 : i32
      %lt3A_157 = arith.cmpi slt, %add3A_156, %add3A_26 : i32
      %convert_element_type3A_158 = arith.extui %lt3A_157 : i1 to i32
      %cond3A_159 = arith.constant 0 : i32
      %cond3A_160 = arith.cmpi ne, %convert_element_type3A_158, %cond3A_159 : i32
      scf.if %cond3A_160 {
        %add3A_161 = arith.constant 3 : i32
        %add3A_162 = arith.addi %mul3A_107, %add3A_161 : i32
        %mul3A_163 = arith.constant 32 : i32
        %mul3A_164 = arith.muli %add3A_162, %mul3A_163 : i32
        %add3A_165 = arith.addi %add3A, %mul3A_164 : i32
        %mul3A_166 = arith.constant 128 : i32
        %mul3A_167 = arith.muli %add3A_165, %mul3A_166 : i32
        %multiple_of3A_168 = tpu.assume_multiple %mul3A_167, 8 : i32
        %dma_start3A_169 = tpu.memref_slice %arg3[%multiple_of3A_168] : memref<320000xi32, #tpu.memory_space<hbm>> -> memref<128xi32, #tpu.memory_space<hbm>>
        %dma_start3A_170 = tpu.memref_slice %arg3[%multiple_of3A_168] : memref<320000xi32, #tpu.memory_space<hbm>> -> memref<128xi32, #tpu.memory_space<hbm>>
        tpu.enqueue_dma source(%dma_start3A_170 : memref<128xi32, #tpu.memory_space<hbm>>) target(%arg8 : memref<128xi32, #tpu.memory_space<vmem>>) target_semaphore(%arg16 : memref<!tpu.dma_semaphore, #tpu.memory_space<semaphore_mem>>)
        %dma_start3A_171 = tpu.memref_slice %arg4[%multiple_of3A_168] : memref<320000xi32, #tpu.memory_space<hbm>> -> memref<128xi32, #tpu.memory_space<hbm>>
        %dma_start3A_172 = tpu.memref_slice %arg4[%multiple_of3A_168] : memref<320000xi32, #tpu.memory_space<hbm>> -> memref<128xi32, #tpu.memory_space<hbm>>
        tpu.enqueue_dma source(%dma_start3A_172 : memref<128xi32, #tpu.memory_space<hbm>>) target(%arg9 : memref<128xi32, #tpu.memory_space<vmem>>) target_semaphore(%arg16 : memref<!tpu.dma_semaphore, #tpu.memory_space<semaphore_mem>>)
      } else {
      }
    }
    %jit3A_74 = arith.constant 2 : i32
    %eq3A = arith.constant 0 : i32
    %eq3A_75 = arith.cmpi eq, %jit3A_74, %eq3A : i32
    %jit3A_76 = arith.constant 1 : i32
    %select_n3A_77 = arith.select %eq3A_75, %jit3A_76, %jit3A_74 : i32
    %rem3A_78 = arith.remsi %add3A_26, %select_n3A_77 : i32
    %ne3A_79 = arith.constant 0 : i32
    %ne3A_80 = arith.cmpi ne, %rem3A_78, %ne3A_79 : i32
    %lt3A_81 = arith.constant 0 : i32
    %lt3A_82 = arith.cmpi slt, %rem3A_78, %lt3A_81 : i32
    %lt3A_83 = arith.constant 0 : i32
    %lt3A_84 = arith.cmpi slt, %select_n3A_77, %lt3A_83 : i32
    %ne3A_85 = arith.xori %lt3A_82, %lt3A_84 : i1
    %and3A_86 = arith.andi %ne3A_85, %ne3A_80 : i1
    %add3A_87 = arith.addi %rem3A_78, %select_n3A_77 : i32
    %select_n3A_88 = arith.select %and3A_86, %add3A_87, %rem3A_78 : i32
    %eq3A_89 = arith.constant 1 : i32
    %eq3A_90 = arith.cmpi eq, %select_n3A_88, %eq3A_89 : i32
    %convert_element_type3A_91 = arith.extui %eq3A_90 : i1 to i32
    %cond3A_92 = arith.constant 0 : i32
    %cond3A_93 = arith.cmpi ne, %convert_element_type3A_91, %cond3A_92 : i32
    scf.if %cond3A_93 {
      %dma_wait3A_105 = arith.constant 0 : i32
      %dma_wait3A_106 = arith.constant 0 : i32
      %dma_wait3A_107 = tpu.memref_slice %arg2[%dma_wait3A_105, %dma_wait3A_106] : memref<10000x128xf32, #tpu.memory_space<hbm>> -> memref<128x128xf32, #tpu.memory_space<hbm>>
      %dma_wait3A_108 = arith.constant 0 : i32
      %dma_wait3A_109 = arith.constant 0 : i32
      %dma_wait3A_110 = tpu.memref_slice %arg2[%dma_wait3A_108, %dma_wait3A_109] : memref<10000x128xf32, #tpu.memory_space<hbm>> -> memref<128x128xf32, #tpu.memory_space<hbm>>
      tpu.wait_dma2 semaphore(%arg13 : memref<!tpu.dma_semaphore, #tpu.memory_space<semaphore_mem>>) src(%dma_wait3A_110 : memref<128x128xf32, #tpu.memory_space<hbm>>) dst(%arg10 : memref<128x128xf32, #tpu.memory_space<vmem>>)
      "tpu.region"() ({
        %run_scoped3A = tpu.sem_alloc : memref<!tpu.dma_semaphore, #tpu.memory_space<semaphore_mem>>
        %dma_start3A_111 = arith.constant 0 : i32
        %dma_start3A_112 = arith.constant 0 : i32
        %dma_start3A_113 = tpu.memref_slice %arg12[%dma_start3A_111, %dma_start3A_112] : memref<10000x128xf32, #tpu.memory_space<vmem_shared>> -> memref<10000x128xf32, #tpu.memory_space<vmem_shared>>
        tpu.enqueue_indirect_dma source(%arg10 : memref<128x128xf32, #tpu.memory_space<vmem>>) target(%dma_start3A_113 : memref<10000x128xf32, #tpu.memory_space<vmem_shared>>) offsets(%arg7 : memref<128xi32, #tpu.memory_space<vmem>>) semaphore(%run_scoped3A : memref<!tpu.dma_semaphore, #tpu.memory_space<semaphore_mem>>) {add = true}
        %dma_wait3A_114 = arith.constant 0 : i32
        %dma_wait3A_115 = arith.constant 0 : i32
        %dma_wait3A_116 = tpu.memref_slice %arg12[%dma_wait3A_114, %dma_wait3A_115] : memref<10000x128xf32, #tpu.memory_space<vmem_shared>> -> memref<10000x128xf32, #tpu.memory_space<vmem_shared>>
        tpu.wait_indirect_dma semaphore(%run_scoped3A : memref<!tpu.dma_semaphore, #tpu.memory_space<semaphore_mem>>) src(%arg10 : memref<128x128xf32, #tpu.memory_space<vmem>>) dst(%dma_wait3A_116 : memref<10000x128xf32, #tpu.memory_space<vmem_shared>>)
        tpu.yield
      }) : () -> ()
    } else {
    }
    %barrier3A_94 = arith.constant 0 : index
    tpu.barrier barrier_id(%barrier3A_94)
    %while3A_95 = arith.constant 0 : i32
    %while3A_96 = arith.constant 0 : i32
    %while3A_97 = arith.subi %add3A_10, %while3A_96 : i32
    %while3A_98 = arith.addi %while3A_96, %while3A_97 : i32
    %while3A_99 = arith.constant 1 : i32
    %while3A_100 = arith.divsi %while3A_97, %while3A_99 : i32
    %while3A_101 = arith.muli %while3A_100, %while3A_99 : i32
    %while3A_102 = arith.addi %while3A_96, %while3A_101 : i32
    %while3A_103 = arith.constant 1 : i32
    scf.for %while3A_105 = %while3A_96 to %while3A_102 step %while3A_103  : i32 {
      %mul3A_106 = arith.constant 16 : i32
      %mul3A_107 = arith.muli %while3A_105, %mul3A_106 : i32
      %add3A_108 = arith.addi %arg1, %mul3A_107 : i32
      %mul3A_109 = arith.constant 80 : i32
      %mul3A_110 = arith.muli %add3A_108, %mul3A_109 : i32
      %multiple_of3A_111 = tpu.assume_multiple %mul3A_110, 8 : i32
      "tpu.region"() ({
        %run_scoped3A = tpu.sem_alloc : memref<!tpu.dma_semaphore, #tpu.memory_space<semaphore_mem>>
        %dma_start3A_112 = arith.constant 0 : i32
        %dma_start3A_113 = tpu.memref_slice %arg5[%arg0, %multiple_of3A_111, %dma_start3A_112] : memref<2x10000x128xf32, #tpu.memory_space<hbm>> -> memref<1x80x128xf32, #tpu.memory_space<hbm>>
        %dma_start3A_114 = tpu.memref_squeeze %dma_start3A_113 : memref<1x80x128xf32, #tpu.memory_space<hbm>> -> memref<80x128xf32, #tpu.memory_space<hbm>>
        %dma_start3A_115 = arith.constant 0 : i32
        %dma_start3A_116 = tpu.memref_slice %arg12[%multiple_of3A_111, %dma_start3A_115] : memref<10000x128xf32, #tpu.memory_space<vmem_shared>> -> memref<80x128xf32, #tpu.memory_space<vmem_shared>>
        tpu.enqueue_dma source(%dma_start3A_116 : memref<80x128xf32, #tpu.memory_space<vmem_shared>>) target(%dma_start3A_114 : memref<80x128xf32, #tpu.memory_space<hbm>>) target_semaphore(%run_scoped3A : memref<!tpu.dma_semaphore, #tpu.memory_space<semaphore_mem>>)
        %dma_wait3A_117 = arith.constant 0 : i32
        %dma_wait3A_118 = tpu.memref_slice %arg5[%arg0, %multiple_of3A_111, %dma_wait3A_117] : memref<2x10000x128xf32, #tpu.memory_space<hbm>> -> memref<1x80x128xf32, #tpu.memory_space<hbm>>
        %dma_wait3A_119 = tpu.memref_squeeze %dma_wait3A_118 : memref<1x80x128xf32, #tpu.memory_space<hbm>> -> memref<80x128xf32, #tpu.memory_space<hbm>>
        %dma_wait3A_120 = arith.constant 0 : i32
        %dma_wait3A_121 = tpu.memref_slice %arg12[%multiple_of3A_111, %dma_wait3A_120] : memref<10000x128xf32, #tpu.memory_space<vmem_shared>> -> memref<80x128xf32, #tpu.memory_space<vmem_shared>>
        tpu.wait_dma2 semaphore(%run_scoped3A : memref<!tpu.dma_semaphore, #tpu.memory_space<semaphore_mem>>) src(%dma_wait3A_121 : memref<80x128xf32, #tpu.memory_space<vmem_shared>>) dst(%dma_wait3A_119 : memref<80x128xf32, #tpu.memory_space<hbm>>)
        tpu.yield
      }) : () -> ()
    }
    %while3A_104 = arith.constant 1 : i32
    scf.for %while3A_105 = %while3A_102 to %while3A_98 step %while3A_104  : i32 {
      %mul3A_106 = arith.constant 16 : i32
      %mul3A_107 = arith.muli %while3A_105, %mul3A_106 : i32
      %add3A_108 = arith.addi %arg1, %mul3A_107 : i32
      %mul3A_109 = arith.constant 80 : i32
      %mul3A_110 = arith.muli %add3A_108, %mul3A_109 : i32
      %multiple_of3A_111 = tpu.assume_multiple %mul3A_110, 8 : i32
      "tpu.region"() ({
        %run_scoped3A = tpu.sem_alloc : memref<!tpu.dma_semaphore, #tpu.memory_space<semaphore_mem>>
        %dma_start3A_112 = arith.constant 0 : i32
        %dma_start3A_113 = tpu.memref_slice %arg5[%arg0, %multiple_of3A_111, %dma_start3A_112] : memref<2x10000x128xf32, #tpu.memory_space<hbm>> -> memref<1x80x128xf32, #tpu.memory_space<hbm>>
        %dma_start3A_114 = tpu.memref_squeeze %dma_start3A_113 : memref<1x80x128xf32, #tpu.memory_space<hbm>> -> memref<80x128xf32, #tpu.memory_space<hbm>>
        %dma_start3A_115 = arith.constant 0 : i32
        %dma_start3A_116 = tpu.memref_slice %arg12[%multiple_of3A_111, %dma_start3A_115] : memref<10000x128xf32, #tpu.memory_space<vmem_shared>> -> memref<80x128xf32, #tpu.memory_space<vmem_shared>>
        tpu.enqueue_dma source(%dma_start3A_116 : memref<80x128xf32, #tpu.memory_space<vmem_shared>>) target(%dma_start3A_114 : memref<80x128xf32, #tpu.memory_space<hbm>>) target_semaphore(%run_scoped3A : memref<!tpu.dma_semaphore, #tpu.memory_space<semaphore_mem>>)
        %dma_wait3A_117 = arith.constant 0 : i32
        %dma_wait3A_118 = tpu.memref_slice %arg5[%arg0, %multiple_of3A_111, %dma_wait3A_117] : memref<2x10000x128xf32, #tpu.memory_space<hbm>> -> memref<1x80x128xf32, #tpu.memory_space<hbm>>
        %dma_wait3A_119 = tpu.memref_squeeze %dma_wait3A_118 : memref<1x80x128xf32, #tpu.memory_space<hbm>> -> memref<80x128xf32, #tpu.memory_space<hbm>>
        %dma_wait3A_120 = arith.constant 0 : i32
        %dma_wait3A_121 = tpu.memref_slice %arg12[%multiple_of3A_111, %dma_wait3A_120] : memref<10000x128xf32, #tpu.memory_space<vmem_shared>> -> memref<80x128xf32, #tpu.memory_space<vmem_shared>>
        tpu.wait_dma2 semaphore(%run_scoped3A : memref<!tpu.dma_semaphore, #tpu.memory_space<semaphore_mem>>) src(%dma_wait3A_121 : memref<80x128xf32, #tpu.memory_space<vmem_shared>>) dst(%dma_wait3A_119 : memref<80x128xf32, #tpu.memory_space<hbm>>)
        tpu.yield
      }) : () -> ()
    }
    return
  }
}

#map = affine_map<(d0, d1) -> (0, 0)>
#map1 = affine_map<(d0, d1) -> (0)>
#map2 = affine_map<(d0, d1) -> (0, 0, 0)>
module attributes {stable_mosaic.version = 14 : i64} {
  func.func @agg_kernel(%arg0: i32, %arg1: i32, %arg2: memref<10000x128xf32, #tpu.memory_space<hbm>>, %arg3: memref<320000xi32, #tpu.memory_space<hbm>>, %arg4: memref<320000xi32, #tpu.memory_space<hbm>>, %arg5: memref<2x10000x128xf32, #tpu.memory_space<hbm>>, %arg6: memref<128xi32, #tpu.memory_space<vmem>>, %arg7: memref<128xi32, #tpu.memory_space<vmem>>, %arg8: memref<128xi32, #tpu.memory_space<vmem>>, %arg9: memref<128xi32, #tpu.memory_space<vmem>>, %arg10: memref<128x128xf32, #tpu.memory_space<vmem>>, %arg11: memref<128x128xf32, #tpu.memory_space<vmem>>, %arg12: memref<10000x128xf32, #tpu.memory_space<vmem_shared>>, %arg13: memref<!tpu.dma_semaphore, #tpu.memory_space<semaphore_mem>>, %arg14: memref<!tpu.dma_semaphore, #tpu.memory_space<semaphore_mem>>, %arg15: memref<!tpu.dma_semaphore, #tpu.memory_space<semaphore_mem>>, %arg16: memref<!tpu.dma_semaphore, #tpu.memory_space<semaphore_mem>>, %arg17: memref<!tpu.dma_semaphore, #tpu.memory_space<semaphore_mem>>, %arg18: memref<!tpu.dma_semaphore, #tpu.memory_space<semaphore_mem>>) attributes {dimension_semantics = [#tpu.dimension_semantics<core_parallel>, #tpu.dimension_semantics<subcore_parallel>], iteration_bounds = array<i64: 2, 16>, scalar_prefetch = 0 : i64, scratch_operands = 13 : i64, tpu.core_type = #tpu.core_type<sc_vector_subcore>, window_params = [{transform_indices = #map}, {transform_indices = #map1}, {transform_indices = #map1}, {transform_indices = #map2}]} {
    %mul3A = arith.constant 16 : i32
    %mul3A_0 = arith.muli %arg0, %mul3A : i32
    %add3A = arith.addi %mul3A_0, %arg1 : i32
    %broadcast_in_dim3A = arith.constant 0.000000e+00 : f32
    %broadcast_in_dim3A_1 = vector.broadcast %broadcast_in_dim3A : f32 to vector<16xf32>
    %scan3A = arith.constant 0 : i32
    %scan3A_2 = arith.constant 0 : i32
    %scan3A_3 = arith.constant 80 : i32
    %scan3A_4 = arith.addi %scan3A_2, %scan3A_3 : i32
    %scan3A_5 = arith.constant 1 : i32
    scf.for %scan3A_105 = %scan3A_2 to %scan3A_4 step %scan3A_5  : i32 {
      %swap3A = arith.index_cast %scan3A_105 : i32 to index
      %swap3A_106 = arith.constant 0 : index
      %swap3A_107 = tpu.vector_load %arg10[%swap3A, %swap3A_106] {strides = array<i32>} : memref<128x128xf32, #tpu.memory_space<vmem>>, vector<1x16xf32>,
      %swap3A_108 = vector.shape_cast %swap3A_107 : vector<1x16xf32> to vector<16xf32>
      %swap3A_109 = vector.shape_cast %broadcast_in_dim3A_1 : vector<16xf32> to vector<1x16xf32>
      tpu.vector_store %arg10[%swap3A, %swap3A_106], %swap3A_109 {strides = array<i32>} : memref<128x128xf32, #tpu.memory_space<vmem>>, vector<1x16xf32>,
      %swap3A_110 = arith.index_cast %scan3A_105 : i32 to index
      %swap3A_111 = arith.constant 16 : index
      %swap3A_112 = tpu.vector_load %arg10[%swap3A_110, %swap3A_111] {strides = array<i32>} : memref<128x128xf32, #tpu.memory_space<vmem>>, vector<1x16xf32>,
      %swap3A_113 = vector.shape_cast %swap3A_112 : vector<1x16xf32> to vector<16xf32>
      %swap3A_114 = vector.shape_cast %broadcast_in_dim3A_1 : vector<16xf32> to vector<1x16xf32>
      tpu.vector_store %arg10[%swap3A_110, %swap3A_111], %swap3A_114 {strides = array<i32>} : memref<128x128xf32, #tpu.memory_space<vmem>>, vector<1x16xf32>,
      %swap3A_115 = arith.index_cast %scan3A_105 : i32 to index
      %swap3A_116 = arith.constant 32 : index
      %swap3A_117 = tpu.vector_load %arg10[%swap3A_115, %swap3A_116] {strides = array<i32>} : memref<128x128xf32, #tpu.memory_space<vmem>>, vector<1x16xf32>,
      %swap3A_118 = vector.shape_cast %swap3A_117 : vector<1x16xf32> to vector<16xf32>
      %swap3A_119 = vector.shape_cast %broadcast_in_dim3A_1 : vector<16xf32> to vector<1x16xf32>
      tpu.vector_store %arg10[%swap3A_115, %swap3A_116], %swap3A_119 {strides = array<i32>} : memref<128x128xf32, #tpu.memory_space<vmem>>, vector<1x16xf32>,
      %swap3A_120 = arith.index_cast %scan3A_105 : i32 to index
      %swap3A_121 = arith.constant 48 : index
      %swap3A_122 = tpu.vector_load %arg10[%swap3A_120, %swap3A_121] {strides = array<i32>} : memref<128x128xf32, #tpu.memory_space<vmem>>, vector<1x16xf32>,
      %swap3A_123 = vector.shape_cast %swap3A_122 : vector<1x16xf32> to vector<16xf32>
      %swap3A_124 = vector.shape_cast %broadcast_in_dim3A_1 : vector<16xf32> to vector<1x16xf32>
      tpu.vector_store %arg10[%swap3A_120, %swap3A_121], %swap3A_124 {strides = array<i32>} : memref<128x128xf32, #tpu.memory_space<vmem>>, vector<1x16xf32>,
      %swap3A_125 = arith.index_cast %scan3A_105 : i32 to index
      %swap3A_126 = arith.constant 64 : index
      %swap3A_127 = tpu.vector_load %arg10[%swap3A_125, %swap3A_126] {strides = array<i32>} : memref<128x128xf32, #tpu.memory_space<vmem>>, vector<1x16xf32>,
      %swap3A_128 = vector.shape_cast %swap3A_127 : vector<1x16xf32> to vector<16xf32>
      %swap3A_129 = vector.shape_cast %broadcast_in_dim3A_1 : vector<16xf32> to vector<1x16xf32>
      tpu.vector_store %arg10[%swap3A_125, %swap3A_126], %swap3A_129 {strides = array<i32>} : memref<128x128xf32, #tpu.memory_space<vmem>>, vector<1x16xf32>,
      %swap3A_130 = arith.index_cast %scan3A_105 : i32 to index
      %swap3A_131 = arith.constant 80 : index
      %swap3A_132 = tpu.vector_load %arg10[%swap3A_130, %swap3A_131] {strides = array<i32>} : memref<128x128xf32, #tpu.memory_space<vmem>>, vector<1x16xf32>,
      %swap3A_133 = vector.shape_cast %swap3A_132 : vector<1x16xf32> to vector<16xf32>
      %swap3A_134 = vector.shape_cast %broadcast_in_dim3A_1 : vector<16xf32> to vector<1x16xf32>
      tpu.vector_store %arg10[%swap3A_130, %swap3A_131], %swap3A_134 {strides = array<i32>} : memref<128x128xf32, #tpu.memory_space<vmem>>, vector<1x16xf32>,
      %swap3A_135 = arith.index_cast %scan3A_105 : i32 to index
      %swap3A_136 = arith.constant 96 : index
      %swap3A_137 = tpu.vector_load %arg10[%swap3A_135, %swap3A_136] {strides = array<i32>} : memref<128x128xf32, #tpu.memory_space<vmem>>, vector<1x16xf32>,
      %swap3A_138 = vector.shape_cast %swap3A_137 : vector<1x16xf32> to vector<16xf32>
      %swap3A_139 = vector.shape_cast %broadcast_in_dim3A_1 : vector<16xf32> to vector<1x16xf32>
      tpu.vector_store %arg10[%swap3A_135, %swap3A_136], %swap3A_139 {strides = array<i32>} : memref<128x128xf32, #tpu.memory_space<vmem>>, vector<1x16xf32>,
      %swap3A_140 = arith.index_cast %scan3A_105 : i32 to index
      %swap3A_141 = arith.constant 112 : index
      %swap3A_142 = tpu.vector_load %arg10[%swap3A_140, %swap3A_141] {strides = array<i32>} : memref<128x128xf32, #tpu.memory_space<vmem>>, vector<1x16xf32>,
      %swap3A_143 = vector.shape_cast %swap3A_142 : vector<1x16xf32> to vector<16xf32>
      %swap3A_144 = vector.shape_cast %broadcast_in_dim3A_1 : vector<16xf32> to vector<1x16xf32>
      tpu.vector_store %arg10[%swap3A_140, %swap3A_141], %swap3A_144 {strides = array<i32>} : memref<128x128xf32, #tpu.memory_space<vmem>>, vector<1x16xf32>,
    }
    %scan3A_6 = arith.constant 80 : i32
    %lt3A = arith.constant 13 : i32
    %lt3A_7 = arith.cmpi slt, %arg1, %lt3A : i32
    %jit3A = arith.constant 1 : i32
    %jit3A_8 = arith.constant 0 : i32
    %select_n3A = arith.select %lt3A_7, %jit3A, %jit3A_8 : i32
    %add3A_9 = arith.constant 7 : i32
    %add3A_10 = arith.addi %add3A_9, %select_n3A : i32
    %while3A = arith.constant 0 : i32
    %while3A_11 = arith.constant 0 : i32
    %while3A_12 = arith.subi %add3A_10, %while3A_11 : i32
    %while3A_13 = arith.addi %while3A_11, %while3A_12 : i32
    %while3A_14 = arith.constant 1 : i32
    %while3A_15 = arith.divsi %while3A_12, %while3A_14 : i32
    %while3A_16 = arith.muli %while3A_15, %while3A_14 : i32
    %while3A_17 = arith.addi %while3A_11, %while3A_16 : i32
    %while3A_18 = arith.constant 1 : i32
    scf.for %while3A_105 = %while3A_11 to %while3A_17 step %while3A_18  : i32 {
      %mul3A_106 = arith.constant 16 : i32
      %mul3A_107 = arith.muli %while3A_105, %mul3A_106 : i32
      %add3A_108 = arith.addi %arg1, %mul3A_107 : i32
      %mul3A_109 = arith.constant 80 : i32
      %mul3A_110 = arith.muli %add3A_108, %mul3A_109 : i32
      %multiple_of3A_111 = tpu.assume_multiple %mul3A_110, 8 : i32
      "tpu.region"() ({
        %run_scoped3A = tpu.sem_alloc : memref<!tpu.dma_semaphore, #tpu.memory_space<semaphore_mem>>
        %dma_start3A_112 = arith.constant 0 : i32
        %dma_start3A_113 = arith.constant 0 : i32
        %dma_start3A_114 = tpu.memref_slice %arg10[%dma_start3A_112, %dma_start3A_113] : memref<128x128xf32, #tpu.memory_space<vmem>> -> memref<80x128xf32, #tpu.memory_space<vmem>>
        %dma_start3A_115 = arith.constant 0 : i32
        %dma_start3A_116 = tpu.memref_slice %arg12[%multiple_of3A_111, %dma_start3A_115] : memref<10000x128xf32, #tpu.memory_space<vmem_shared>> -> memref<80x128xf32, #tpu.memory_space<vmem_shared>>
        %dma_start3A_117 = arith.constant 0 : i32
        %dma_start3A_118 = tpu.memref_slice %arg12[%multiple_of3A_111, %dma_start3A_117] : memref<10000x128xf32, #tpu.memory_space<vmem_shared>> -> memref<80x128xf32, #tpu.memory_space<vmem_shared>>
        %dma_start3A_119 = arith.constant 0 : i32
        %dma_start3A_120 = arith.constant 0 : i32
        %dma_start3A_121 = tpu.memref_slice %arg10[%dma_start3A_119, %dma_start3A_120] : memref<128x128xf32, #tpu.memory_space<vmem>> -> memref<80x128xf32, #tpu.memory_space<vmem>>
        tpu.enqueue_dma source(%dma_start3A_121 : memref<80x128xf32, #tpu.memory_space<vmem>>) target(%dma_start3A_118 : memref<80x128xf32, #tpu.memory_space<vmem_shared>>) target_semaphore(%run_scoped3A : memref<!tpu.dma_semaphore, #tpu.memory_space<semaphore_mem>>)
        %dma_wait3A_122 = arith.constant 0 : i32
        %dma_wait3A_123 = arith.constant 0 : i32
        %dma_wait3A_124 = tpu.memref_slice %arg10[%dma_wait3A_122, %dma_wait3A_123] : memref<128x128xf32, #tpu.memory_space<vmem>> -> memref<80x128xf32, #tpu.memory_space<vmem>>
        %dma_wait3A_125 = arith.constant 0 : i32
        %dma_wait3A_126 = tpu.memref_slice %arg12[%multiple_of3A_111, %dma_wait3A_125] : memref<10000x128xf32, #tpu.memory_space<vmem_shared>> -> memref<80x128xf32, #tpu.memory_space<vmem_shared>>
        %dma_wait3A_127 = arith.constant 0 : i32
        %dma_wait3A_128 = tpu.memref_slice %arg12[%multiple_of3A_111, %dma_wait3A_127] : memref<10000x128xf32, #tpu.memory_space<vmem_shared>> -> memref<80x128xf32, #tpu.memory_space<vmem_shared>>
        %dma_wait3A_129 = arith.constant 0 : i32
        %dma_wait3A_130 = arith.constant 0 : i32
        %dma_wait3A_131 = tpu.memref_slice %arg10[%dma_wait3A_129, %dma_wait3A_130] : memref<128x128xf32, #tpu.memory_space<vmem>> -> memref<80x128xf32, #tpu.memory_space<vmem>>
        tpu.wait_dma2 semaphore(%run_scoped3A : memref<!tpu.dma_semaphore, #tpu.memory_space<semaphore_mem>>) src(%dma_wait3A_131 : memref<80x128xf32, #tpu.memory_space<vmem>>) dst(%dma_wait3A_128 : memref<80x128xf32, #tpu.memory_space<vmem_shared>>)
        tpu.yield
      }) : () -> ()
    }
    %while3A_19 = arith.constant 1 : i32
    scf.for %while3A_105 = %while3A_17 to %while3A_13 step %while3A_19  : i32 {
      %mul3A_106 = arith.constant 16 : i32
      %mul3A_107 = arith.muli %while3A_105, %mul3A_106 : i32
      %add3A_108 = arith.addi %arg1, %mul3A_107 : i32
      %mul3A_109 = arith.constant 80 : i32
      %mul3A_110 = arith.muli %add3A_108, %mul3A_109 : i32
      %multiple_of3A_111 = tpu.assume_multiple %mul3A_110, 8 : i32
      "tpu.region"() ({
        %run_scoped3A = tpu.sem_alloc : memref<!tpu.dma_semaphore, #tpu.memory_space<semaphore_mem>>
        %dma_start3A_112 = arith.constant 0 : i32
        %dma_start3A_113 = arith.constant 0 : i32
        %dma_start3A_114 = tpu.memref_slice %arg10[%dma_start3A_112, %dma_start3A_113] : memref<128x128xf32, #tpu.memory_space<vmem>> -> memref<80x128xf32, #tpu.memory_space<vmem>>
        %dma_start3A_115 = arith.constant 0 : i32
        %dma_start3A_116 = tpu.memref_slice %arg12[%multiple_of3A_111, %dma_start3A_115] : memref<10000x128xf32, #tpu.memory_space<vmem_shared>> -> memref<80x128xf32, #tpu.memory_space<vmem_shared>>
        %dma_start3A_117 = arith.constant 0 : i32
        %dma_start3A_118 = tpu.memref_slice %arg12[%multiple_of3A_111, %dma_start3A_117] : memref<10000x128xf32, #tpu.memory_space<vmem_shared>> -> memref<80x128xf32, #tpu.memory_space<vmem_shared>>
        %dma_start3A_119 = arith.constant 0 : i32
        %dma_start3A_120 = arith.constant 0 : i32
        %dma_start3A_121 = tpu.memref_slice %arg10[%dma_start3A_119, %dma_start3A_120] : memref<128x128xf32, #tpu.memory_space<vmem>> -> memref<80x128xf32, #tpu.memory_space<vmem>>
        tpu.enqueue_dma source(%dma_start3A_121 : memref<80x128xf32, #tpu.memory_space<vmem>>) target(%dma_start3A_118 : memref<80x128xf32, #tpu.memory_space<vmem_shared>>) target_semaphore(%run_scoped3A : memref<!tpu.dma_semaphore, #tpu.memory_space<semaphore_mem>>)
        %dma_wait3A_122 = arith.constant 0 : i32
        %dma_wait3A_123 = arith.constant 0 : i32
        %dma_wait3A_124 = tpu.memref_slice %arg10[%dma_wait3A_122, %dma_wait3A_123] : memref<128x128xf32, #tpu.memory_space<vmem>> -> memref<80x128xf32, #tpu.memory_space<vmem>>
        %dma_wait3A_125 = arith.constant 0 : i32
        %dma_wait3A_126 = tpu.memref_slice %arg12[%multiple_of3A_111, %dma_wait3A_125] : memref<10000x128xf32, #tpu.memory_space<vmem_shared>> -> memref<80x128xf32, #tpu.memory_space<vmem_shared>>
        %dma_wait3A_127 = arith.constant 0 : i32
        %dma_wait3A_128 = tpu.memref_slice %arg12[%multiple_of3A_111, %dma_wait3A_127] : memref<10000x128xf32, #tpu.memory_space<vmem_shared>> -> memref<80x128xf32, #tpu.memory_space<vmem_shared>>
        %dma_wait3A_129 = arith.constant 0 : i32
        %dma_wait3A_130 = arith.constant 0 : i32
        %dma_wait3A_131 = tpu.memref_slice %arg10[%dma_wait3A_129, %dma_wait3A_130] : memref<128x128xf32, #tpu.memory_space<vmem>> -> memref<80x128xf32, #tpu.memory_space<vmem>>
        tpu.wait_dma2 semaphore(%run_scoped3A : memref<!tpu.dma_semaphore, #tpu.memory_space<semaphore_mem>>) src(%dma_wait3A_131 : memref<80x128xf32, #tpu.memory_space<vmem>>) dst(%dma_wait3A_128 : memref<80x128xf32, #tpu.memory_space<vmem_shared>>)
        tpu.yield
      }) : () -> ()
    }
    %barrier3A = arith.constant 0 : index
    tpu.barrier barrier_id(%barrier3A)
    %lt3A_20 = arith.constant 4 : i32
    %lt3A_21 = arith.cmpi slt, %add3A, %lt3A_20 : i32
    %jit3A_22 = arith.constant 1 : i32
    %jit3A_23 = arith.constant 0 : i32
    %select_n3A_24 = arith.select %lt3A_21, %jit3A_22, %jit3A_23 : i32
    %add3A_25 = arith.constant 78 : i32
    %add3A_26 = arith.addi %add3A_25, %select_n3A_24 : i32
    %add3A_27 = arith.constant 0 : i32
    %add3A_28 = arith.addi %add3A, %add3A_27 : i32
    %mul3A_29 = arith.constant 128 : i32
    %mul3A_30 = arith.muli %add3A_28, %mul3A_29 : i32
    %multiple_of3A = tpu.assume_multiple %mul3A_30, 8 : i32
    %dma_start3A = tpu.memref_slice %arg3[%multiple_of3A] : memref<320000xi32, #tpu.memory_space<hbm>> -> memref<128xi32, #tpu.memory_space<hbm>>
    %dma_start3A_31 = tpu.memref_slice %arg3[%multiple_of3A] : memref<320000xi32, #tpu.memory_space<hbm>> -> memref<128xi32, #tpu.memory_space<hbm>>
    tpu.enqueue_dma source(%dma_start3A_31 : memref<128xi32, #tpu.memory_space<hbm>>) target(%arg6 : memref<128xi32, #tpu.memory_space<vmem>>) target_semaphore(%arg15 : memref<!tpu.dma_semaphore, #tpu.memory_space<semaphore_mem>>)
    %dma_start3A_32 = tpu.memref_slice %arg4[%multiple_of3A] : memref<320000xi32, #tpu.memory_space<hbm>> -> memref<128xi32, #tpu.memory_space<hbm>>
    %dma_start3A_33 = tpu.memref_slice %arg4[%multiple_of3A] : memref<320000xi32, #tpu.memory_space<hbm>> -> memref<128xi32, #tpu.memory_space<hbm>>
    tpu.enqueue_dma source(%dma_start3A_33 : memref<128xi32, #tpu.memory_space<hbm>>) target(%arg7 : memref<128xi32, #tpu.memory_space<vmem>>) target_semaphore(%arg15 : memref<!tpu.dma_semaphore, #tpu.memory_space<semaphore_mem>>)
    %dma_wait3A = arith.constant 0 : i32
    %dma_wait3A_34 = tpu.memref_slice %arg3[%dma_wait3A] : memref<320000xi32, #tpu.memory_space<hbm>> -> memref<128xi32, #tpu.memory_space<hbm>>
    %dma_wait3A_35 = arith.constant 0 : i32
    %dma_wait3A_36 = tpu.memref_slice %arg3[%dma_wait3A_35] : memref<320000xi32, #tpu.memory_space<hbm>> -> memref<128xi32, #tpu.memory_space<hbm>>
    tpu.wait_dma2 semaphore(%arg15 : memref<!tpu.dma_semaphore, #tpu.memory_space<semaphore_mem>>) src(%dma_wait3A_36 : memref<128xi32, #tpu.memory_space<hbm>>) dst(%arg6 : memref<128xi32, #tpu.memory_space<vmem>>)
    %dma_wait3A_37 = arith.constant 0 : i32
    %dma_wait3A_38 = tpu.memref_slice %arg3[%dma_wait3A_37] : memref<320000xi32, #tpu.memory_space<hbm>> -> memref<128xi32, #tpu.memory_space<hbm>>
    %dma_wait3A_39 = arith.constant 0 : i32
    %dma_wait3A_40 = tpu.memref_slice %arg3[%dma_wait3A_39] : memref<320000xi32, #tpu.memory_space<hbm>> -> memref<128xi32, #tpu.memory_space<hbm>>
    tpu.wait_dma2 semaphore(%arg15 : memref<!tpu.dma_semaphore, #tpu.memory_space<semaphore_mem>>) src(%dma_wait3A_40 : memref<128xi32, #tpu.memory_space<hbm>>) dst(%arg7 : memref<128xi32, #tpu.memory_space<vmem>>)
    %dma_start3A_41 = arith.constant 0 : i32
    %dma_start3A_42 = arith.constant 0 : i32
    %dma_start3A_43 = tpu.memref_slice %arg2[%dma_start3A_41, %dma_start3A_42] : memref<10000x128xf32, #tpu.memory_space<hbm>> -> memref<10000x128xf32, #tpu.memory_space<hbm>>
    tpu.enqueue_indirect_dma source(%dma_start3A_43 : memref<10000x128xf32, #tpu.memory_space<hbm>>) target(%arg10 : memref<128x128xf32, #tpu.memory_space<vmem>>) offsets(%arg6 : memref<128xi32, #tpu.memory_space<vmem>>) semaphore(%arg13 : memref<!tpu.dma_semaphore, #tpu.memory_space<semaphore_mem>>)
    %gt3A = arith.constant 1 : i32
    %gt3A_44 = arith.cmpi sgt, %add3A_26, %gt3A : i32
    %convert_element_type3A = arith.extui %gt3A_44 : i1 to i32
    %cond3A = arith.constant 0 : i32
    %cond3A_45 = arith.cmpi ne, %convert_element_type3A, %cond3A : i32
    scf.if %cond3A_45 {
      %add3A_105 = arith.constant 32 : i32
      %add3A_106 = arith.addi %add3A, %add3A_105 : i32
      %mul3A_107 = arith.constant 128 : i32
      %mul3A_108 = arith.muli %add3A_106, %mul3A_107 : i32
      %multiple_of3A_109 = tpu.assume_multiple %mul3A_108, 8 : i32
      %dma_start3A_110 = tpu.memref_slice %arg3[%multiple_of3A_109] : memref<320000xi32, #tpu.memory_space<hbm>> -> memref<128xi32, #tpu.memory_space<hbm>>
      %dma_start3A_111 = tpu.memref_slice %arg3[%multiple_of3A_109] : memref<320000xi32, #tpu.memory_space<hbm>> -> memref<128xi32, #tpu.memory_space<hbm>>
      tpu.enqueue_dma source(%dma_start3A_111 : memref<128xi32, #tpu.memory_space<hbm>>) target(%arg8 : memref<128xi32, #tpu.memory_space<vmem>>) target_semaphore(%arg16 : memref<!tpu.dma_semaphore, #tpu.memory_space<semaphore_mem>>)
      %dma_start3A_112 = tpu.memref_slice %arg4[%multiple_of3A_109] : memref<320000xi32, #tpu.memory_space<hbm>> -> memref<128xi32, #tpu.memory_space<hbm>>
      %dma_start3A_113 = tpu.memref_slice %arg4[%multiple_of3A_109] : memref<320000xi32, #tpu.memory_space<hbm>> -> memref<128xi32, #tpu.memory_space<hbm>>
      tpu.enqueue_dma source(%dma_start3A_113 : memref<128xi32, #tpu.memory_space<hbm>>) target(%arg9 : memref<128xi32, #tpu.memory_space<vmem>>) target_semaphore(%arg16 : memref<!tpu.dma_semaphore, #tpu.memory_space<semaphore_mem>>)
    } else {
    }
    %jit3A_46 = arith.constant 2 : i32
    %div3A = arith.divsi %add3A_26, %jit3A_46 : i32
    %sign3A = arith.constant 0 : i32
    %sign3A_47 = arith.cmpi sgt, %add3A_26, %sign3A : i32
    %sign3A_48 = arith.extui %sign3A_47 : i1 to i32
    %sign3A_49 = arith.constant 0 : i32
    %sign3A_50 = arith.cmpi slt, %add3A_26, %sign3A_49 : i32
    %sign3A_51 = arith.extui %sign3A_50 : i1 to i32
    %sign3A_52 = arith.subi %sign3A_48, %sign3A_51 : i32
    %sign3A_53 = arith.constant 0 : i32
    %sign3A_54 = arith.cmpi sgt, %jit3A_46, %sign3A_53 : i32
    %sign3A_55 = arith.extui %sign3A_54 : i1 to i32
    %sign3A_56 = arith.constant 0 : i32
    %sign3A_57 = arith.cmpi slt, %jit3A_46, %sign3A_56 : i32
    %sign3A_58 = arith.extui %sign3A_57 : i1 to i32
    %sign3A_59 = arith.subi %sign3A_55, %sign3A_58 : i32
    %ne3A = arith.cmpi ne, %sign3A_52, %sign3A_59 : i32
    %rem3A = arith.remsi %add3A_26, %jit3A_46 : i32
    %ne3A_60 = arith.constant 0 : i32
    %ne3A_61 = arith.cmpi ne, %rem3A, %ne3A_60 : i32
    %and3A = arith.andi %ne3A, %ne3A_61 : i1
    %sub3A = arith.constant 1 : i32
    %sub3A_62 = arith.subi %div3A, %sub3A : i32
    %select_n3A_63 = arith.select %and3A, %sub3A_62, %div3A : i32
    %while3A_64 = arith.constant 0 : i32
    %while3A_65 = arith.constant 0 : i32
    %while3A_66 = arith.subi %select_n3A_63, %while3A_65 : i32
    %while3A_67 = arith.addi %while3A_65, %while3A_66 : i32
    %while3A_68 = arith.constant 1 : i32
    %while3A_69 = arith.divsi %while3A_66, %while3A_68 : i32
    %while3A_70 = arith.muli %while3A_69, %while3A_68 : i32
    %while3A_71 = arith.addi %while3A_65, %while3A_70 : i32
    %while3A_72 = arith.constant 1 : i32
    scf.for %while3A_105 = %while3A_65 to %while3A_71 step %while3A_72  : i32 {
      %mul3A_106 = arith.constant 2 : i32
      %mul3A_107 = arith.muli %mul3A_106, %while3A_105 : i32
      %dma_wait3A_108 = arith.constant 0 : i32
      %dma_wait3A_109 = tpu.memref_slice %arg3[%dma_wait3A_108] : memref<320000xi32, #tpu.memory_space<hbm>> -> memref<128xi32, #tpu.memory_space<hbm>>
      %dma_wait3A_110 = arith.constant 0 : i32
      %dma_wait3A_111 = tpu.memref_slice %arg3[%dma_wait3A_110] : memref<320000xi32, #tpu.memory_space<hbm>> -> memref<128xi32, #tpu.memory_space<hbm>>
      tpu.wait_dma2 semaphore(%arg16 : memref<!tpu.dma_semaphore, #tpu.memory_space<semaphore_mem>>) src(%dma_wait3A_111 : memref<128xi32, #tpu.memory_space<hbm>>) dst(%arg8 : memref<128xi32, #tpu.memory_space<vmem>>)
      %dma_wait3A_112 = arith.constant 0 : i32
      %dma_wait3A_113 = tpu.memref_slice %arg3[%dma_wait3A_112] : memref<320000xi32, #tpu.memory_space<hbm>> -> memref<128xi32, #tpu.memory_space<hbm>>
      %dma_wait3A_114 = arith.constant 0 : i32
      %dma_wait3A_115 = tpu.memref_slice %arg3[%dma_wait3A_114] : memref<320000xi32, #tpu.memory_space<hbm>> -> memref<128xi32, #tpu.memory_space<hbm>>
      tpu.wait_dma2 semaphore(%arg16 : memref<!tpu.dma_semaphore, #tpu.memory_space<semaphore_mem>>) src(%dma_wait3A_115 : memref<128xi32, #tpu.memory_space<hbm>>) dst(%arg9 : memref<128xi32, #tpu.memory_space<vmem>>)
      %dma_start3A_116 = arith.constant 0 : i32
      %dma_start3A_117 = arith.constant 0 : i32
      %dma_start3A_118 = tpu.memref_slice %arg2[%dma_start3A_116, %dma_start3A_117] : memref<10000x128xf32, #tpu.memory_space<hbm>> -> memref<10000x128xf32, #tpu.memory_space<hbm>>
      tpu.enqueue_indirect_dma source(%dma_start3A_118 : memref<10000x128xf32, #tpu.memory_space<hbm>>) target(%arg11 : memref<128x128xf32, #tpu.memory_space<vmem>>) offsets(%arg8 : memref<128xi32, #tpu.memory_space<vmem>>) semaphore(%arg14 : memref<!tpu.dma_semaphore, #tpu.memory_space<semaphore_mem>>)
      %dma_wait3A_119 = arith.constant 0 : i32
      %dma_wait3A_120 = arith.constant 0 : i32
      %dma_wait3A_121 = tpu.memref_slice %arg2[%dma_wait3A_119, %dma_wait3A_120] : memref<10000x128xf32, #tpu.memory_space<hbm>> -> memref<128x128xf32, #tpu.memory_space<hbm>>
      %dma_wait3A_122 = arith.constant 0 : i32
      %dma_wait3A_123 = arith.constant 0 : i32
      %dma_wait3A_124 = tpu.memref_slice %arg2[%dma_wait3A_122, %dma_wait3A_123] : memref<10000x128xf32, #tpu.memory_space<hbm>> -> memref<128x128xf32, #tpu.memory_space<hbm>>
      tpu.wait_dma2 semaphore(%arg13 : memref<!tpu.dma_semaphore, #tpu.memory_space<semaphore_mem>>) src(%dma_wait3A_124 : memref<128x128xf32, #tpu.memory_space<hbm>>) dst(%arg10 : memref<128x128xf32, #tpu.memory_space<vmem>>)
      %dma_start3A_125 = arith.constant 0 : i32
      %dma_start3A_126 = arith.constant 0 : i32
      %dma_start3A_127 = tpu.memref_slice %arg12[%dma_start3A_125, %dma_start3A_126] : memref<10000x128xf32, #tpu.memory_space<vmem_shared>> -> memref<10000x128xf32, #tpu.memory_space<vmem_shared>>
      tpu.enqueue_indirect_dma source(%arg10 : memref<128x128xf32, #tpu.memory_space<vmem>>) target(%dma_start3A_127 : memref<10000x128xf32, #tpu.memory_space<vmem_shared>>) offsets(%arg7 : memref<128xi32, #tpu.memory_space<vmem>>) semaphore(%arg17 : memref<!tpu.dma_semaphore, #tpu.memory_space<semaphore_mem>>) {add = true}
      %dma_wait3A_128 = arith.constant 0 : i32
      %dma_wait3A_129 = arith.constant 0 : i32
      %dma_wait3A_130 = tpu.memref_slice %arg2[%dma_wait3A_128, %dma_wait3A_129] : memref<10000x128xf32, #tpu.memory_space<hbm>> -> memref<128x128xf32, #tpu.memory_space<hbm>>
      %dma_wait3A_131 = arith.constant 0 : i32
      %dma_wait3A_132 = arith.constant 0 : i32
      %dma_wait3A_133 = tpu.memref_slice %arg2[%dma_wait3A_131, %dma_wait3A_132] : memref<10000x128xf32, #tpu.memory_space<hbm>> -> memref<128x128xf32, #tpu.memory_space<hbm>>
      tpu.wait_dma2 semaphore(%arg14 : memref<!tpu.dma_semaphore, #tpu.memory_space<semaphore_mem>>) src(%dma_wait3A_133 : memref<128x128xf32, #tpu.memory_space<hbm>>) dst(%arg11 : memref<128x128xf32, #tpu.memory_space<vmem>>)
      %dma_start3A_134 = arith.constant 0 : i32
      %dma_start3A_135 = arith.constant 0 : i32
      %dma_start3A_136 = tpu.memref_slice %arg12[%dma_start3A_134, %dma_start3A_135] : memref<10000x128xf32, #tpu.memory_space<vmem_shared>> -> memref<10000x128xf32, #tpu.memory_space<vmem_shared>>
      tpu.enqueue_indirect_dma source(%arg11 : memref<128x128xf32, #tpu.memory_space<vmem>>) target(%dma_start3A_136 : memref<10000x128xf32, #tpu.memory_space<vmem_shared>>) offsets(%arg9 : memref<128xi32, #tpu.memory_space<vmem>>) semaphore(%arg18 : memref<!tpu.dma_semaphore, #tpu.memory_space<semaphore_mem>>) {add = true}
      %dma_wait3A_137 = arith.constant 0 : i32
      %dma_wait3A_138 = arith.constant 0 : i32
      %dma_wait3A_139 = tpu.memref_slice %arg2[%dma_wait3A_137, %dma_wait3A_138] : memref<10000x128xf32, #tpu.memory_space<hbm>> -> memref<128x128xf32, #tpu.memory_space<hbm>>
      %dma_wait3A_140 = arith.constant 0 : i32
      %dma_wait3A_141 = arith.constant 0 : i32
      %dma_wait3A_142 = tpu.memref_slice %arg2[%dma_wait3A_140, %dma_wait3A_141] : memref<10000x128xf32, #tpu.memory_space<hbm>> -> memref<128x128xf32, #tpu.memory_space<hbm>>
      tpu.wait_dma2 semaphore(%arg17 : memref<!tpu.dma_semaphore, #tpu.memory_space<semaphore_mem>>) src(%dma_wait3A_142 : memref<128x128xf32, #tpu.memory_space<hbm>>) dst(%arg10 : memref<128x128xf32, #tpu.memory_space<vmem>>)
      %add3A_143 = arith.constant 2 : i32
      %add3A_144 = arith.addi %mul3A_107, %add3A_143 : i32
      %lt3A_145 = arith.cmpi slt, %add3A_144, %add3A_26 : i32
      %convert_element_type3A_146 = arith.extui %lt3A_145 : i1 to i32
      %cond3A_147 = arith.constant 0 : i32
      %cond3A_148 = arith.cmpi ne, %convert_element_type3A_146, %cond3A_147 : i32
      scf.if %cond3A_148 {
        %add3A_161 = arith.constant 2 : i32
        %add3A_162 = arith.addi %mul3A_107, %add3A_161 : i32
        %mul3A_163 = arith.constant 32 : i32
        %mul3A_164 = arith.muli %add3A_162, %mul3A_163 : i32
        %add3A_165 = arith.addi %add3A, %mul3A_164 : i32
        %mul3A_166 = arith.constant 128 : i32
        %mul3A_167 = arith.muli %add3A_165, %mul3A_166 : i32
        %multiple_of3A_168 = tpu.assume_multiple %mul3A_167, 8 : i32
        %dma_start3A_169 = tpu.memref_slice %arg3[%multiple_of3A_168] : memref<320000xi32, #tpu.memory_space<hbm>> -> memref<128xi32, #tpu.memory_space<hbm>>
        %dma_start3A_170 = tpu.memref_slice %arg3[%multiple_of3A_168] : memref<320000xi32, #tpu.memory_space<hbm>> -> memref<128xi32, #tpu.memory_space<hbm>>
        tpu.enqueue_dma source(%dma_start3A_170 : memref<128xi32, #tpu.memory_space<hbm>>) target(%arg6 : memref<128xi32, #tpu.memory_space<vmem>>) target_semaphore(%arg15 : memref<!tpu.dma_semaphore, #tpu.memory_space<semaphore_mem>>)
        %dma_start3A_171 = tpu.memref_slice %arg4[%multiple_of3A_168] : memref<320000xi32, #tpu.memory_space<hbm>> -> memref<128xi32, #tpu.memory_space<hbm>>
        %dma_start3A_172 = tpu.memref_slice %arg4[%multiple_of3A_168] : memref<320000xi32, #tpu.memory_space<hbm>> -> memref<128xi32, #tpu.memory_space<hbm>>
        tpu.enqueue_dma source(%dma_start3A_172 : memref<128xi32, #tpu.memory_space<hbm>>) target(%arg7 : memref<128xi32, #tpu.memory_space<vmem>>) target_semaphore(%arg15 : memref<!tpu.dma_semaphore, #tpu.memory_space<semaphore_mem>>)
        %dma_wait3A_173 = arith.constant 0 : i32
        %dma_wait3A_174 = tpu.memref_slice %arg3[%dma_wait3A_173] : memref<320000xi32, #tpu.memory_space<hbm>> -> memref<128xi32, #tpu.memory_space<hbm>>
        %dma_wait3A_175 = arith.constant 0 : i32
        %dma_wait3A_176 = tpu.memref_slice %arg3[%dma_wait3A_175] : memref<320000xi32, #tpu.memory_space<hbm>> -> memref<128xi32, #tpu.memory_space<hbm>>
        tpu.wait_dma2 semaphore(%arg15 : memref<!tpu.dma_semaphore, #tpu.memory_space<semaphore_mem>>) src(%dma_wait3A_176 : memref<128xi32, #tpu.memory_space<hbm>>) dst(%arg6 : memref<128xi32, #tpu.memory_space<vmem>>)
        %dma_wait3A_177 = arith.constant 0 : i32
        %dma_wait3A_178 = tpu.memref_slice %arg3[%dma_wait3A_177] : memref<320000xi32, #tpu.memory_space<hbm>> -> memref<128xi32, #tpu.memory_space<hbm>>
        %dma_wait3A_179 = arith.constant 0 : i32
        %dma_wait3A_180 = tpu.memref_slice %arg3[%dma_wait3A_179] : memref<320000xi32, #tpu.memory_space<hbm>> -> memref<128xi32, #tpu.memory_space<hbm>>
        tpu.wait_dma2 semaphore(%arg15 : memref<!tpu.dma_semaphore, #tpu.memory_space<semaphore_mem>>) src(%dma_wait3A_180 : memref<128xi32, #tpu.memory_space<hbm>>) dst(%arg7 : memref<128xi32, #tpu.memory_space<vmem>>)
        %dma_start3A_181 = arith.constant 0 : i32
        %dma_start3A_182 = arith.constant 0 : i32
        %dma_start3A_183 = tpu.memref_slice %arg2[%dma_start3A_181, %dma_start3A_182] : memref<10000x128xf32, #tpu.memory_space<hbm>> -> memref<10000x128xf32, #tpu.memory_space<hbm>>
        tpu.enqueue_indirect_dma source(%dma_start3A_183 : memref<10000x128xf32, #tpu.memory_space<hbm>>) target(%arg10 : memref<128x128xf32, #tpu.memory_space<vmem>>) offsets(%arg6 : memref<128xi32, #tpu.memory_space<vmem>>) semaphore(%arg13 : memref<!tpu.dma_semaphore, #tpu.memory_space<semaphore_mem>>)
      } else {
      }
      %dma_wait3A_149 = arith.constant 0 : i32
      %dma_wait3A_150 = arith.constant 0 : i32
      %dma_wait3A_151 = tpu.memref_slice %arg2[%dma_wait3A_149, %dma_wait3A_150] : memref<10000x128xf32, #tpu.memory_space<hbm>> -> memref<128x128xf32, #tpu.memory_space<hbm>>
      %dma_wait3A_152 = arith.constant 0 : i32
      %dma_wait3A_153 = arith.constant 0 : i32
      %dma_wait3A_154 = tpu.memref_slice %arg2[%dma_wait3A_152, %dma_wait3A_153] : memref<10000x128xf32, #tpu.memory_space<hbm>> -> memref<128x128xf32, #tpu.memory_space<hbm>>
      tpu.wait_dma2 semaphore(%arg18 : memref<!tpu.dma_semaphore, #tpu.memory_space<semaphore_mem>>) src(%dma_wait3A_154 : memref<128x128xf32, #tpu.memory_space<hbm>>) dst(%arg11 : memref<128x128xf32, #tpu.memory_space<vmem>>)
      %add3A_155 = arith.constant 3 : i32
      %add3A_156 = arith.addi %mul3A_107, %add3A_155 : i32
      %lt3A_157 = arith.cmpi slt, %add3A_156, %add3A_26 : i32
      %convert_element_type3A_158 = arith.extui %lt3A_157 : i1 to i32
      %cond3A_159 = arith.constant 0 : i32
      %cond3A_160 = arith.cmpi ne, %convert_element_type3A_158, %cond3A_159 : i32
      scf.if %cond3A_160 {
        %add3A_161 = arith.constant 3 : i32
        %add3A_162 = arith.addi %mul3A_107, %add3A_161 : i32
        %mul3A_163 = arith.constant 32 : i32
        %mul3A_164 = arith.muli %add3A_162, %mul3A_163 : i32
        %add3A_165 = arith.addi %add3A, %mul3A_164 : i32
        %mul3A_166 = arith.constant 128 : i32
        %mul3A_167 = arith.muli %add3A_165, %mul3A_166 : i32
        %multiple_of3A_168 = tpu.assume_multiple %mul3A_167, 8 : i32
        %dma_start3A_169 = tpu.memref_slice %arg3[%multiple_of3A_168] : memref<320000xi32, #tpu.memory_space<hbm>> -> memref<128xi32, #tpu.memory_space<hbm>>
        %dma_start3A_170 = tpu.memref_slice %arg3[%multiple_of3A_168] : memref<320000xi32, #tpu.memory_space<hbm>> -> memref<128xi32, #tpu.memory_space<hbm>>
        tpu.enqueue_dma source(%dma_start3A_170 : memref<128xi32, #tpu.memory_space<hbm>>) target(%arg8 : memref<128xi32, #tpu.memory_space<vmem>>) target_semaphore(%arg16 : memref<!tpu.dma_semaphore, #tpu.memory_space<semaphore_mem>>)
        %dma_start3A_171 = tpu.memref_slice %arg4[%multiple_of3A_168] : memref<320000xi32, #tpu.memory_space<hbm>> -> memref<128xi32, #tpu.memory_space<hbm>>
        %dma_start3A_172 = tpu.memref_slice %arg4[%multiple_of3A_168] : memref<320000xi32, #tpu.memory_space<hbm>> -> memref<128xi32, #tpu.memory_space<hbm>>
        tpu.enqueue_dma source(%dma_start3A_172 : memref<128xi32, #tpu.memory_space<hbm>>) target(%arg9 : memref<128xi32, #tpu.memory_space<vmem>>) target_semaphore(%arg16 : memref<!tpu.dma_semaphore, #tpu.memory_space<semaphore_mem>>)
      } else {
      }
    }
    %while3A_73 = arith.constant 1 : i32
    scf.for %while3A_105 = %while3A_71 to %while3A_67 step %while3A_73  : i32 {
      %mul3A_106 = arith.constant 2 : i32
      %mul3A_107 = arith.muli %mul3A_106, %while3A_105 : i32
      %dma_wait3A_108 = arith.constant 0 : i32
      %dma_wait3A_109 = tpu.memref_slice %arg3[%dma_wait3A_108] : memref<320000xi32, #tpu.memory_space<hbm>> -> memref<128xi32, #tpu.memory_space<hbm>>
      %dma_wait3A_110 = arith.constant 0 : i32
      %dma_wait3A_111 = tpu.memref_slice %arg3[%dma_wait3A_110] : memref<320000xi32, #tpu.memory_space<hbm>> -> memref<128xi32, #tpu.memory_space<hbm>>
      tpu.wait_dma2 semaphore(%arg16 : memref<!tpu.dma_semaphore, #tpu.memory_space<semaphore_mem>>) src(%dma_wait3A_111 : memref<128xi32, #tpu.memory_space<hbm>>) dst(%arg8 : memref<128xi32, #tpu.memory_space<vmem>>)
      %dma_wait3A_112 = arith.constant 0 : i32
      %dma_wait3A_113 = tpu.memref_slice %arg3[%dma_wait3A_112] : memref<320000xi32, #tpu.memory_space<hbm>> -> memref<128xi32, #tpu.memory_space<hbm>>
      %dma_wait3A_114 = arith.constant 0 : i32
      %dma_wait3A_115 = tpu.memref_slice %arg3[%dma_wait3A_114] : memref<320000xi32, #tpu.memory_space<hbm>> -> memref<128xi32, #tpu.memory_space<hbm>>
      tpu.wait_dma2 semaphore(%arg16 : memref<!tpu.dma_semaphore, #tpu.memory_space<semaphore_mem>>) src(%dma_wait3A_115 : memref<128xi32, #tpu.memory_space<hbm>>) dst(%arg9 : memref<128xi32, #tpu.memory_space<vmem>>)
      %dma_start3A_116 = arith.constant 0 : i32
      %dma_start3A_117 = arith.constant 0 : i32
      %dma_start3A_118 = tpu.memref_slice %arg2[%dma_start3A_116, %dma_start3A_117] : memref<10000x128xf32, #tpu.memory_space<hbm>> -> memref<10000x128xf32, #tpu.memory_space<hbm>>
      tpu.enqueue_indirect_dma source(%dma_start3A_118 : memref<10000x128xf32, #tpu.memory_space<hbm>>) target(%arg11 : memref<128x128xf32, #tpu.memory_space<vmem>>) offsets(%arg8 : memref<128xi32, #tpu.memory_space<vmem>>) semaphore(%arg14 : memref<!tpu.dma_semaphore, #tpu.memory_space<semaphore_mem>>)
      %dma_wait3A_119 = arith.constant 0 : i32
      %dma_wait3A_120 = arith.constant 0 : i32
      %dma_wait3A_121 = tpu.memref_slice %arg2[%dma_wait3A_119, %dma_wait3A_120] : memref<10000x128xf32, #tpu.memory_space<hbm>> -> memref<128x128xf32, #tpu.memory_space<hbm>>
      %dma_wait3A_122 = arith.constant 0 : i32
      %dma_wait3A_123 = arith.constant 0 : i32
      %dma_wait3A_124 = tpu.memref_slice %arg2[%dma_wait3A_122, %dma_wait3A_123] : memref<10000x128xf32, #tpu.memory_space<hbm>> -> memref<128x128xf32, #tpu.memory_space<hbm>>
      tpu.wait_dma2 semaphore(%arg13 : memref<!tpu.dma_semaphore, #tpu.memory_space<semaphore_mem>>) src(%dma_wait3A_124 : memref<128x128xf32, #tpu.memory_space<hbm>>) dst(%arg10 : memref<128x128xf32, #tpu.memory_space<vmem>>)
      %dma_start3A_125 = arith.constant 0 : i32
      %dma_start3A_126 = arith.constant 0 : i32
      %dma_start3A_127 = tpu.memref_slice %arg12[%dma_start3A_125, %dma_start3A_126] : memref<10000x128xf32, #tpu.memory_space<vmem_shared>> -> memref<10000x128xf32, #tpu.memory_space<vmem_shared>>
      tpu.enqueue_indirect_dma source(%arg10 : memref<128x128xf32, #tpu.memory_space<vmem>>) target(%dma_start3A_127 : memref<10000x128xf32, #tpu.memory_space<vmem_shared>>) offsets(%arg7 : memref<128xi32, #tpu.memory_space<vmem>>) semaphore(%arg17 : memref<!tpu.dma_semaphore, #tpu.memory_space<semaphore_mem>>) {add = true}
      %dma_wait3A_128 = arith.constant 0 : i32
      %dma_wait3A_129 = arith.constant 0 : i32
      %dma_wait3A_130 = tpu.memref_slice %arg2[%dma_wait3A_128, %dma_wait3A_129] : memref<10000x128xf32, #tpu.memory_space<hbm>> -> memref<128x128xf32, #tpu.memory_space<hbm>>
      %dma_wait3A_131 = arith.constant 0 : i32
      %dma_wait3A_132 = arith.constant 0 : i32
      %dma_wait3A_133 = tpu.memref_slice %arg2[%dma_wait3A_131, %dma_wait3A_132] : memref<10000x128xf32, #tpu.memory_space<hbm>> -> memref<128x128xf32, #tpu.memory_space<hbm>>
      tpu.wait_dma2 semaphore(%arg14 : memref<!tpu.dma_semaphore, #tpu.memory_space<semaphore_mem>>) src(%dma_wait3A_133 : memref<128x128xf32, #tpu.memory_space<hbm>>) dst(%arg11 : memref<128x128xf32, #tpu.memory_space<vmem>>)
      %dma_start3A_134 = arith.constant 0 : i32
      %dma_start3A_135 = arith.constant 0 : i32
      %dma_start3A_136 = tpu.memref_slice %arg12[%dma_start3A_134, %dma_start3A_135] : memref<10000x128xf32, #tpu.memory_space<vmem_shared>> -> memref<10000x128xf32, #tpu.memory_space<vmem_shared>>
      tpu.enqueue_indirect_dma source(%arg11 : memref<128x128xf32, #tpu.memory_space<vmem>>) target(%dma_start3A_136 : memref<10000x128xf32, #tpu.memory_space<vmem_shared>>) offsets(%arg9 : memref<128xi32, #tpu.memory_space<vmem>>) semaphore(%arg18 : memref<!tpu.dma_semaphore, #tpu.memory_space<semaphore_mem>>) {add = true}
      %dma_wait3A_137 = arith.constant 0 : i32
      %dma_wait3A_138 = arith.constant 0 : i32
      %dma_wait3A_139 = tpu.memref_slice %arg2[%dma_wait3A_137, %dma_wait3A_138] : memref<10000x128xf32, #tpu.memory_space<hbm>> -> memref<128x128xf32, #tpu.memory_space<hbm>>
      %dma_wait3A_140 = arith.constant 0 : i32
      %dma_wait3A_141 = arith.constant 0 : i32
      %dma_wait3A_142 = tpu.memref_slice %arg2[%dma_wait3A_140, %dma_wait3A_141] : memref<10000x128xf32, #tpu.memory_space<hbm>> -> memref<128x128xf32, #tpu.memory_space<hbm>>
      tpu.wait_dma2 semaphore(%arg17 : memref<!tpu.dma_semaphore, #tpu.memory_space<semaphore_mem>>) src(%dma_wait3A_142 : memref<128x128xf32, #tpu.memory_space<hbm>>) dst(%arg10 : memref<128x128xf32, #tpu.memory_space<vmem>>)
      %add3A_143 = arith.constant 2 : i32
      %add3A_144 = arith.addi %mul3A_107, %add3A_143 : i32
      %lt3A_145 = arith.cmpi slt, %add3A_144, %add3A_26 : i32
      %convert_element_type3A_146 = arith.extui %lt3A_145 : i1 to i32
      %cond3A_147 = arith.constant 0 : i32
      %cond3A_148 = arith.cmpi ne, %convert_element_type3A_146, %cond3A_147 : i32
      scf.if %cond3A_148 {
        %add3A_161 = arith.constant 2 : i32
        %add3A_162 = arith.addi %mul3A_107, %add3A_161 : i32
        %mul3A_163 = arith.constant 32 : i32
        %mul3A_164 = arith.muli %add3A_162, %mul3A_163 : i32
        %add3A_165 = arith.addi %add3A, %mul3A_164 : i32
        %mul3A_166 = arith.constant 128 : i32
        %mul3A_167 = arith.muli %add3A_165, %mul3A_166 : i32
        %multiple_of3A_168 = tpu.assume_multiple %mul3A_167, 8 : i32
        %dma_start3A_169 = tpu.memref_slice %arg3[%multiple_of3A_168] : memref<320000xi32, #tpu.memory_space<hbm>> -> memref<128xi32, #tpu.memory_space<hbm>>
        %dma_start3A_170 = tpu.memref_slice %arg3[%multiple_of3A_168] : memref<320000xi32, #tpu.memory_space<hbm>> -> memref<128xi32, #tpu.memory_space<hbm>>
        tpu.enqueue_dma source(%dma_start3A_170 : memref<128xi32, #tpu.memory_space<hbm>>) target(%arg6 : memref<128xi32, #tpu.memory_space<vmem>>) target_semaphore(%arg15 : memref<!tpu.dma_semaphore, #tpu.memory_space<semaphore_mem>>)
        %dma_start3A_171 = tpu.memref_slice %arg4[%multiple_of3A_168] : memref<320000xi32, #tpu.memory_space<hbm>> -> memref<128xi32, #tpu.memory_space<hbm>>
        %dma_start3A_172 = tpu.memref_slice %arg4[%multiple_of3A_168] : memref<320000xi32, #tpu.memory_space<hbm>> -> memref<128xi32, #tpu.memory_space<hbm>>
        tpu.enqueue_dma source(%dma_start3A_172 : memref<128xi32, #tpu.memory_space<hbm>>) target(%arg7 : memref<128xi32, #tpu.memory_space<vmem>>) target_semaphore(%arg15 : memref<!tpu.dma_semaphore, #tpu.memory_space<semaphore_mem>>)
        %dma_wait3A_173 = arith.constant 0 : i32
        %dma_wait3A_174 = tpu.memref_slice %arg3[%dma_wait3A_173] : memref<320000xi32, #tpu.memory_space<hbm>> -> memref<128xi32, #tpu.memory_space<hbm>>
        %dma_wait3A_175 = arith.constant 0 : i32
        %dma_wait3A_176 = tpu.memref_slice %arg3[%dma_wait3A_175] : memref<320000xi32, #tpu.memory_space<hbm>> -> memref<128xi32, #tpu.memory_space<hbm>>
        tpu.wait_dma2 semaphore(%arg15 : memref<!tpu.dma_semaphore, #tpu.memory_space<semaphore_mem>>) src(%dma_wait3A_176 : memref<128xi32, #tpu.memory_space<hbm>>) dst(%arg6 : memref<128xi32, #tpu.memory_space<vmem>>)
        %dma_wait3A_177 = arith.constant 0 : i32
        %dma_wait3A_178 = tpu.memref_slice %arg3[%dma_wait3A_177] : memref<320000xi32, #tpu.memory_space<hbm>> -> memref<128xi32, #tpu.memory_space<hbm>>
        %dma_wait3A_179 = arith.constant 0 : i32
        %dma_wait3A_180 = tpu.memref_slice %arg3[%dma_wait3A_179] : memref<320000xi32, #tpu.memory_space<hbm>> -> memref<128xi32, #tpu.memory_space<hbm>>
        tpu.wait_dma2 semaphore(%arg15 : memref<!tpu.dma_semaphore, #tpu.memory_space<semaphore_mem>>) src(%dma_wait3A_180 : memref<128xi32, #tpu.memory_space<hbm>>) dst(%arg7 : memref<128xi32, #tpu.memory_space<vmem>>)
        %dma_start3A_181 = arith.constant 0 : i32
        %dma_start3A_182 = arith.constant 0 : i32
        %dma_start3A_183 = tpu.memref_slice %arg2[%dma_start3A_181, %dma_start3A_182] : memref<10000x128xf32, #tpu.memory_space<hbm>> -> memref<10000x128xf32, #tpu.memory_space<hbm>>
        tpu.enqueue_indirect_dma source(%dma_start3A_183 : memref<10000x128xf32, #tpu.memory_space<hbm>>) target(%arg10 : memref<128x128xf32, #tpu.memory_space<vmem>>) offsets(%arg6 : memref<128xi32, #tpu.memory_space<vmem>>) semaphore(%arg13 : memref<!tpu.dma_semaphore, #tpu.memory_space<semaphore_mem>>)
      } else {
      }
      %dma_wait3A_149 = arith.constant 0 : i32
      %dma_wait3A_150 = arith.constant 0 : i32
      %dma_wait3A_151 = tpu.memref_slice %arg2[%dma_wait3A_149, %dma_wait3A_150] : memref<10000x128xf32, #tpu.memory_space<hbm>> -> memref<128x128xf32, #tpu.memory_space<hbm>>
      %dma_wait3A_152 = arith.constant 0 : i32
      %dma_wait3A_153 = arith.constant 0 : i32
      %dma_wait3A_154 = tpu.memref_slice %arg2[%dma_wait3A_152, %dma_wait3A_153] : memref<10000x128xf32, #tpu.memory_space<hbm>> -> memref<128x128xf32, #tpu.memory_space<hbm>>
      tpu.wait_dma2 semaphore(%arg18 : memref<!tpu.dma_semaphore, #tpu.memory_space<semaphore_mem>>) src(%dma_wait3A_154 : memref<128x128xf32, #tpu.memory_space<hbm>>) dst(%arg11 : memref<128x128xf32, #tpu.memory_space<vmem>>)
      %add3A_155 = arith.constant 3 : i32
      %add3A_156 = arith.addi %mul3A_107, %add3A_155 : i32
      %lt3A_157 = arith.cmpi slt, %add3A_156, %add3A_26 : i32
      %convert_element_type3A_158 = arith.extui %lt3A_157 : i1 to i32
      %cond3A_159 = arith.constant 0 : i32
      %cond3A_160 = arith.cmpi ne, %convert_element_type3A_158, %cond3A_159 : i32
      scf.if %cond3A_160 {
        %add3A_161 = arith.constant 3 : i32
        %add3A_162 = arith.addi %mul3A_107, %add3A_161 : i32
        %mul3A_163 = arith.constant 32 : i32
        %mul3A_164 = arith.muli %add3A_162, %mul3A_163 : i32
        %add3A_165 = arith.addi %add3A, %mul3A_164 : i32
        %mul3A_166 = arith.constant 128 : i32
        %mul3A_167 = arith.muli %add3A_165, %mul3A_166 : i32
        %multiple_of3A_168 = tpu.assume_multiple %mul3A_167, 8 : i32
        %dma_start3A_169 = tpu.memref_slice %arg3[%multiple_of3A_168] : memref<320000xi32, #tpu.memory_space<hbm>> -> memref<128xi32, #tpu.memory_space<hbm>>
        %dma_start3A_170 = tpu.memref_slice %arg3[%multiple_of3A_168] : memref<320000xi32, #tpu.memory_space<hbm>> -> memref<128xi32, #tpu.memory_space<hbm>>
        tpu.enqueue_dma source(%dma_start3A_170 : memref<128xi32, #tpu.memory_space<hbm>>) target(%arg8 : memref<128xi32, #tpu.memory_space<vmem>>) target_semaphore(%arg16 : memref<!tpu.dma_semaphore, #tpu.memory_space<semaphore_mem>>)
        %dma_start3A_171 = tpu.memref_slice %arg4[%multiple_of3A_168] : memref<320000xi32, #tpu.memory_space<hbm>> -> memref<128xi32, #tpu.memory_space<hbm>>
        %dma_start3A_172 = tpu.memref_slice %arg4[%multiple_of3A_168] : memref<320000xi32, #tpu.memory_space<hbm>> -> memref<128xi32, #tpu.memory_space<hbm>>
        tpu.enqueue_dma source(%dma_start3A_172 : memref<128xi32, #tpu.memory_space<hbm>>) target(%arg9 : memref<128xi32, #tpu.memory_space<vmem>>) target_semaphore(%arg16 : memref<!tpu.dma_semaphore, #tpu.memory_space<semaphore_mem>>)
      } else {
      }
    }
    %jit3A_74 = arith.constant 2 : i32
    %eq3A = arith.constant 0 : i32
    %eq3A_75 = arith.cmpi eq, %jit3A_74, %eq3A : i32
    %jit3A_76 = arith.constant 1 : i32
    %select_n3A_77 = arith.select %eq3A_75, %jit3A_76, %jit3A_74 : i32
    %rem3A_78 = arith.remsi %add3A_26, %select_n3A_77 : i32
    %ne3A_79 = arith.constant 0 : i32
    %ne3A_80 = arith.cmpi ne, %rem3A_78, %ne3A_79 : i32
    %lt3A_81 = arith.constant 0 : i32
    %lt3A_82 = arith.cmpi slt, %rem3A_78, %lt3A_81 : i32
    %lt3A_83 = arith.constant 0 : i32
    %lt3A_84 = arith.cmpi slt, %select_n3A_77, %lt3A_83 : i32
    %ne3A_85 = arith.xori %lt3A_82, %lt3A_84 : i1
    %and3A_86 = arith.andi %ne3A_85, %ne3A_80 : i1
    %add3A_87 = arith.addi %rem3A_78, %select_n3A_77 : i32
    %select_n3A_88 = arith.select %and3A_86, %add3A_87, %rem3A_78 : i32
    %eq3A_89 = arith.constant 1 : i32
    %eq3A_90 = arith.cmpi eq, %select_n3A_88, %eq3A_89 : i32
    %convert_element_type3A_91 = arith.extui %eq3A_90 : i1 to i32
    %cond3A_92 = arith.constant 0 : i32
    %cond3A_93 = arith.cmpi ne, %convert_element_type3A_91, %cond3A_92 : i32
    scf.if %cond3A_93 {
      %dma_wait3A_105 = arith.constant 0 : i32
      %dma_wait3A_106 = arith.constant 0 : i32
      %dma_wait3A_107 = tpu.memref_slice %arg2[%dma_wait3A_105, %dma_wait3A_106] : memref<10000x128xf32, #tpu.memory_space<hbm>> -> memref<128x128xf32, #tpu.memory_space<hbm>>
      %dma_wait3A_108 = arith.constant 0 : i32
      %dma_wait3A_109 = arith.constant 0 : i32
      %dma_wait3A_110 = tpu.memref_slice %arg2[%dma_wait3A_108, %dma_wait3A_109] : memref<10000x128xf32, #tpu.memory_space<hbm>> -> memref<128x128xf32, #tpu.memory_space<hbm>>
      tpu.wait_dma2 semaphore(%arg13 : memref<!tpu.dma_semaphore, #tpu.memory_space<semaphore_mem>>) src(%dma_wait3A_110 : memref<128x128xf32, #tpu.memory_space<hbm>>) dst(%arg10 : memref<128x128xf32, #tpu.memory_space<vmem>>)
      "tpu.region"() ({
        %run_scoped3A = tpu.sem_alloc : memref<!tpu.dma_semaphore, #tpu.memory_space<semaphore_mem>>
        %dma_start3A_111 = arith.constant 0 : i32
        %dma_start3A_112 = arith.constant 0 : i32
        %dma_start3A_113 = tpu.memref_slice %arg12[%dma_start3A_111, %dma_start3A_112] : memref<10000x128xf32, #tpu.memory_space<vmem_shared>> -> memref<10000x128xf32, #tpu.memory_space<vmem_shared>>
        tpu.enqueue_indirect_dma source(%arg10 : memref<128x128xf32, #tpu.memory_space<vmem>>) target(%dma_start3A_113 : memref<10000x128xf32, #tpu.memory_space<vmem_shared>>) offsets(%arg7 : memref<128xi32, #tpu.memory_space<vmem>>) semaphore(%run_scoped3A : memref<!tpu.dma_semaphore, #tpu.memory_space<semaphore_mem>>) {add = true}
        %dma_wait3A_114 = arith.constant 0 : i32
        %dma_wait3A_115 = arith.constant 0 : i32
        %dma_wait3A_116 = tpu.memref_slice %arg12[%dma_wait3A_114, %dma_wait3A_115] : memref<10000x128xf32, #tpu.memory_space<vmem_shared>> -> memref<10000x128xf32, #tpu.memory_space<vmem_shared>>
        tpu.wait_indirect_dma semaphore(%run_scoped3A : memref<!tpu.dma_semaphore, #tpu.memory_space<semaphore_mem>>) src(%arg10 : memref<128x128xf32, #tpu.memory_space<vmem>>) dst(%dma_wait3A_116 : memref<10000x128xf32, #tpu.memory_space<vmem_shared>>)
        tpu.yield
      }) : () -> ()
    } else {
    }
    %barrier3A_94 = arith.constant 0 : index
    tpu.barrier barrier_id(%barrier3A_94)
    %while3A_95 = arith.constant 0 : i32
    %while3A_96 = arith.constant 0 : i32
    %while3A_97 = arith.subi %add3A_10, %while3A_96 : i32
    %while3A_98 = arith.addi %while3A_96, %while3A_97 : i32
    %while3A_99 = arith.constant 1 : i32
    %while3A_100 = arith.divsi %while3A_97, %while3A_99 : i32
    %while3A_101 = arith.muli %while3A_100, %while3A_99 : i32
    %while3A_102 = arith.addi %while3A_96, %while3A_101 : i32
    %while3A_103 = arith.constant 1 : i32
    scf.for %while3A_105 = %while3A_96 to %while3A_102 step %while3A_103  : i32 {
      %mul3A_106 = arith.constant 16 : i32
      %mul3A_107 = arith.muli %while3A_105, %mul3A_106 : i32
      %add3A_108 = arith.addi %arg1, %mul3A_107 : i32
      %mul3A_109 = arith.constant 80 : i32
      %mul3A_110 = arith.muli %add3A_108, %mul3A_109 : i32
      %multiple_of3A_111 = tpu.assume_multiple %mul3A_110, 8 : i32
      "tpu.region"() ({
        %run_scoped3A = tpu.sem_alloc : memref<!tpu.dma_semaphore, #tpu.memory_space<semaphore_mem>>
        %dma_start3A_112 = arith.constant 0 : i32
        %dma_start3A_113 = tpu.memref_slice %arg5[%arg0, %multiple_of3A_111, %dma_start3A_112] : memref<2x10000x128xf32, #tpu.memory_space<hbm>> -> memref<1x80x128xf32, #tpu.memory_space<hbm>>
        %dma_start3A_114 = tpu.memref_squeeze %dma_start3A_113 : memref<1x80x128xf32, #tpu.memory_space<hbm>> -> memref<80x128xf32, #tpu.memory_space<hbm>>
        %dma_start3A_115 = arith.constant 0 : i32
        %dma_start3A_116 = tpu.memref_slice %arg12[%multiple_of3A_111, %dma_start3A_115] : memref<10000x128xf32, #tpu.memory_space<vmem_shared>> -> memref<80x128xf32, #tpu.memory_space<vmem_shared>>
        tpu.enqueue_dma source(%dma_start3A_116 : memref<80x128xf32, #tpu.memory_space<vmem_shared>>) target(%dma_start3A_114 : memref<80x128xf32, #tpu.memory_space<hbm>>) target_semaphore(%run_scoped3A : memref<!tpu.dma_semaphore, #tpu.memory_space<semaphore_mem>>)
        %dma_wait3A_117 = arith.constant 0 : i32
        %dma_wait3A_118 = tpu.memref_slice %arg5[%arg0, %multiple_of3A_111, %dma_wait3A_117] : memref<2x10000x128xf32, #tpu.memory_space<hbm>> -> memref<1x80x128xf32, #tpu.memory_space<hbm>>
        %dma_wait3A_119 = tpu.memref_squeeze %dma_wait3A_118 : memref<1x80x128xf32, #tpu.memory_space<hbm>> -> memref<80x128xf32, #tpu.memory_space<hbm>>
        %dma_wait3A_120 = arith.constant 0 : i32
        %dma_wait3A_121 = tpu.memref_slice %arg12[%multiple_of3A_111, %dma_wait3A_120] : memref<10000x128xf32, #tpu.memory_space<vmem_shared>> -> memref<80x128xf32, #tpu.memory_space<vmem_shared>>
        tpu.wait_dma2 semaphore(%run_scoped3A : memref<!tpu.dma_semaphore, #tpu.memory_space<semaphore_mem>>) src(%dma_wait3A_121 : memref<80x128xf32, #tpu.memory_space<vmem_shared>>) dst(%dma_wait3A_119 : memref<80x128xf32, #tpu.memory_space<hbm>>)
        tpu.yield
      }) : () -> ()
    }
    %while3A_104 = arith.constant 1 : i32
    scf.for %while3A_105 = %while3A_102 to %while3A_98 step %while3A_104  : i32 {
      %mul3A_106 = arith.constant 16 : i32
      %mul3A_107 = arith.muli %while3A_105, %mul3A_106 : i32
      %add3A_108 = arith.addi %arg1, %mul3A_107 : i32
      %mul3A_109 = arith.constant 80 : i32
      %mul3A_110 = arith.muli %add3A_108, %mul3A_109 : i32
      %multiple_of3A_111 = tpu.assume_multiple %mul3A_110, 8 : i32
      "tpu.region"() ({
        %run_scoped3A = tpu.sem_alloc : memref<!tpu.dma_semaphore, #tpu.memory_space<semaphore_mem>>
        %dma_start3A_112 = arith.constant 0 : i32
        %dma_start3A_113 = tpu.memref_slice %arg5[%arg0, %multiple_of3A_111, %dma_start3A_112] : memref<2x10000x128xf32, #tpu.memory_space<hbm>> -> memref<1x80x128xf32, #tpu.memory_space<hbm>>
        %dma_start3A_114 = tpu.memref_squeeze %dma_start3A_113 : memref<1x80x128xf32, #tpu.memory_space<hbm>> -> memref<80x128xf32, #tpu.memory_space<hbm>>
        %dma_start3A_115 = arith.constant 0 : i32
        %dma_start3A_116 = tpu.memref_slice %arg12[%multiple_of3A_111, %dma_start3A_115] : memref<10000x128xf32, #tpu.memory_space<vmem_shared>> -> memref<80x128xf32, #tpu.memory_space<vmem_shared>>
        tpu.enqueue_dma source(%dma_start3A_116 : memref<80x128xf32, #tpu.memory_space<vmem_shared>>) target(%dma_start3A_114 : memref<80x128xf32, #tpu.memory_space<hbm>>) target_semaphore(%run_scoped3A : memref<!tpu.dma_semaphore, #tpu.memory_space<semaphore_mem>>)
        %dma_wait3A_117 = arith.constant 0 : i32
        %dma_wait3A_118 = tpu.memref_slice %arg5[%arg0, %multiple_of3A_111, %dma_wait3A_117] : memref<2x10000x128xf32, #tpu.memory_space<hbm>> -> memref<1x80x128xf32, #tpu.memory_space<hbm>>
        %dma_wait3A_119 = tpu.memref_squeeze %dma_wait3A_118 : memref<1x80x128xf32, #tpu.memory_space<hbm>> -> memref<80x128xf32, #tpu.memory_space<hbm>>
        %dma_wait3A_120 = arith.constant 0 : i32
        %dma_wait3A_121 = tpu.memref_slice %arg12[%multiple_of3A_111, %dma_wait3A_120] : memref<10000x128xf32, #tpu.memory_space<vmem_shared>> -> memref<80x128xf32, #tpu.memory_space<vmem_shared>>
        tpu.wait_dma2 semaphore(%run_scoped3A : memref<!tpu.dma_semaphore, #tpu.memory_space<semaphore_mem>>) src(%dma_wait3A_121 : memref<80x128xf32, #tpu.memory_space<vmem_shared>>) dst(%dma_wait3A_119 : memref<80x128xf32, #tpu.memory_space<hbm>>)
        tpu.yield
      }) : () -> ()
    }
    return
  }
}

module attributes {stable_mosaic.version = 14 : i64} {
  func.func @body(%arg0: i32, %arg1: memref<2x1000x128xf32, #tpu.memory_space<vmem>>, %arg2: memref<1000x128xf32, #tpu.memory_space<vmem>>, %arg3: memref<128x128xf32, #tpu.memory_space<vmem>>, %arg4: memref<128x128xf32, #tpu.memory_space<vmem>>, %arg5: memref<1x128xf32, #tpu.memory_space<vmem>>, %arg6: memref<128x128xf32, #tpu.memory_space<vmem>>, %arg7: memref<1x128xf32, #tpu.memory_space<vmem>>, %arg8: memref<128x10xf32, #tpu.memory_space<vmem>>, %arg9: memref<1x10xf32, #tpu.memory_space<vmem>>, %arg10: memref<1000x10xf32, #tpu.memory_space<vmem>>) attributes {dimension_semantics = [#tpu.dimension_semantics<arbitrary>], iteration_bounds = array<i64: 10>, scalar_prefetch = 0 : i64, scratch_operands = 0 : i64, tpu.core_type = #tpu.core_type<tc>, window_params = [{transform_indices = @transform_0, window_bounds = array<i64: 2, 1000, 128>}, {transform_indices = @transform_1, window_bounds = array<i64: 1000, 128>}, {pipeline_mode = #tpu.pipeline_mode<synchronous>, transform_indices = @transform_2, window_bounds = array<i64: 128, 128>}, {pipeline_mode = #tpu.pipeline_mode<synchronous>, transform_indices = @transform_3, window_bounds = array<i64: 128, 128>}, {pipeline_mode = #tpu.pipeline_mode<synchronous>, transform_indices = @transform_4, window_bounds = array<i64: 1, 128>}, {pipeline_mode = #tpu.pipeline_mode<synchronous>, transform_indices = @transform_5, window_bounds = array<i64: 128, 128>}, {pipeline_mode = #tpu.pipeline_mode<synchronous>, transform_indices = @transform_6, window_bounds = array<i64: 1, 128>}, {pipeline_mode = #tpu.pipeline_mode<synchronous>, transform_indices = @transform_7, window_bounds = array<i64: 128, 10>}, {pipeline_mode = #tpu.pipeline_mode<synchronous>, transform_indices = @transform_8, window_bounds = array<i64: 1, 10>}, {transform_indices = @transform_9, window_bounds = array<i64: 1000, 10>}]} {
    %get3A = arith.constant 0 : index
    %get3A_0 = arith.constant 0 : index
    %get3A_1 = arith.constant 0 : index
    %get3A_2 = vector.load %arg1[%get3A, %get3A_0, %get3A_1] : memref<2x1000x128xf32, #tpu.memory_space<vmem>>, vector<1x1000x128xf32>
    %get3A_3 = vector.shape_cast %get3A_2 : vector<1x1000x128xf32> to vector<1000x128xf32>
    %get3A_4 = arith.constant 1 : index
    %get3A_5 = arith.constant 0 : index
    %get3A_6 = arith.constant 0 : index
    %get3A_7 = vector.load %arg1[%get3A_4, %get3A_5, %get3A_6] : memref<2x1000x128xf32, #tpu.memory_space<vmem>>, vector<1x1000x128xf32>
    %get3A_8 = vector.shape_cast %get3A_7 : vector<1x1000x128xf32> to vector<1000x128xf32>
    %add3A = arith.addf %get3A_3, %get3A_8 : vector<1000x128xf32>
    %get3A_9 = arith.constant 0 : index
    %get3A_10 = arith.constant 0 : index
    %get3A_11 = vector.load %arg3[%get3A_9, %get3A_10] : memref<128x128xf32, #tpu.memory_space<vmem>>, vector<128x128xf32>
    %dot_general3A = arith.constant dense<0.000000e+00> : vector<1000x128xf32>
    %dot_general3A_12 = tpu.matmul %add3A, %get3A_11, %dot_general3A {dimension_numbers = #tpu.dot_dimension_numbers<[1], [0], [0], [1], [0, 0, 1, 1], [], []>, transpose_lhs_hint = false} : vector<1000x128xf32>, vector<128x128xf32>, vector<1000x128xf32> -> vector<1000x128xf32>
    %get3A_13 = arith.constant 0 : index
    %get3A_14 = arith.constant 0 : index
    %get3A_15 = vector.load %arg2[%get3A_13, %get3A_14] : memref<1000x128xf32, #tpu.memory_space<vmem>>, vector<1000x128xf32>
    %get3A_16 = arith.constant 0 : index
    %get3A_17 = arith.constant 0 : index
    %get3A_18 = vector.load %arg4[%get3A_16, %get3A_17] : memref<128x128xf32, #tpu.memory_space<vmem>>, vector<128x128xf32>
    %dot_general3A_19 = arith.constant dense<0.000000e+00> : vector<1000x128xf32>
    %dot_general3A_20 = tpu.matmul %get3A_15, %get3A_18, %dot_general3A_19 {dimension_numbers = #tpu.dot_dimension_numbers<[1], [0], [0], [1], [0, 0, 1, 1], [], []>, transpose_lhs_hint = false} : vector<1000x128xf32>, vector<128x128xf32>, vector<1000x128xf32> -> vector<1000x128xf32>
    %add3A_21 = arith.addf %dot_general3A_12, %dot_general3A_20 : vector<1000x128xf32>
    %get3A_22 = arith.constant 0 : index
    %get3A_23 = arith.constant 0 : index
    %get3A_24 = vector.load %arg5[%get3A_22, %get3A_23] : memref<1x128xf32, #tpu.memory_space<vmem>>, vector<1x128xf32>
    %add3A_25 = vector.broadcast %get3A_24 : vector<1x128xf32> to vector<1000x128xf32>
    %add3A_26 = arith.addf %add3A_21, %add3A_25 : vector<1000x128xf32>
    %max3A = arith.constant 0.000000e+00 : f32
    %max3A_27 = vector.broadcast %max3A : f32 to vector<1000x128xf32>
    %max3A_28 = arith.maximumf %add3A_26, %max3A_27 : vector<1000x128xf32>
    %get3A_29 = arith.constant 0 : index
    %get3A_30 = arith.constant 0 : index
    %get3A_31 = vector.load %arg6[%get3A_29, %get3A_30] : memref<128x128xf32, #tpu.memory_space<vmem>>, vector<128x128xf32>
    %dot_general3A_32 = arith.constant dense<0.000000e+00> : vector<1000x128xf32>
    %dot_general3A_33 = tpu.matmul %max3A_28, %get3A_31, %dot_general3A_32 {dimension_numbers = #tpu.dot_dimension_numbers<[1], [0], [0], [1], [0, 0, 1, 1], [], []>, transpose_lhs_hint = false} : vector<1000x128xf32>, vector<128x128xf32>, vector<1000x128xf32> -> vector<1000x128xf32>
    %get3A_34 = arith.constant 0 : index
    %get3A_35 = arith.constant 0 : index
    %get3A_36 = vector.load %arg7[%get3A_34, %get3A_35] : memref<1x128xf32, #tpu.memory_space<vmem>>, vector<1x128xf32>
    %add3A_37 = vector.broadcast %get3A_36 : vector<1x128xf32> to vector<1000x128xf32>
    %add3A_38 = arith.addf %dot_general3A_33, %add3A_37 : vector<1000x128xf32>
    %max3A_39 = arith.constant 0.000000e+00 : f32
    %max3A_40 = vector.broadcast %max3A_39 : f32 to vector<1000x128xf32>
    %max3A_41 = arith.maximumf %add3A_38, %max3A_40 : vector<1000x128xf32>
    %get3A_42 = arith.constant 0 : index
    %get3A_43 = arith.constant 0 : index
    %get3A_44 = vector.load %arg8[%get3A_42, %get3A_43] : memref<128x10xf32, #tpu.memory_space<vmem>>, vector<128x10xf32>
    %dot_general3A_45 = arith.constant dense<0.000000e+00> : vector<1000x10xf32>
    %dot_general3A_46 = tpu.matmul %max3A_41, %get3A_44, %dot_general3A_45 {dimension_numbers = #tpu.dot_dimension_numbers<[1], [0], [0], [1], [0, 0, 1, 1], [], []>, transpose_lhs_hint = false} : vector<1000x128xf32>, vector<128x10xf32>, vector<1000x10xf32> -> vector<1000x10xf32>
    %get3A_47 = arith.constant 0 : index
    %get3A_48 = arith.constant 0 : index
    %get3A_49 = vector.load %arg9[%get3A_47, %get3A_48] : memref<1x10xf32, #tpu.memory_space<vmem>>, vector<1x10xf32>
    %add3A_50 = vector.broadcast %get3A_49 : vector<1x10xf32> to vector<1000x10xf32>
    %add3A_51 = arith.addf %dot_general3A_46, %add3A_50 : vector<1000x10xf32>
    %swap3A = arith.constant 0 : index
    %swap3A_52 = arith.constant 0 : index
    %swap3A_53 = vector.load %arg10[%swap3A, %swap3A_52] : memref<1000x10xf32, #tpu.memory_space<vmem>>, vector<1000x10xf32>
    tpu.vector_store %arg10[%swap3A, %swap3A_52], %add3A_51 {strides = array<i32>} : memref<1000x10xf32, #tpu.memory_space<vmem>>, vector<1000x10xf32>,
    return
  }
  func.func @transform_0(%arg0: i32) -> (i32, i32, i32) {
    %c0_i32 = arith.constant 0 : i32
    %c0_i32_0 = arith.constant 0 : i32
    %c0_i32_1 = arith.constant 0 : i32
    return %c0_i32, %arg0, %c0_i32_0 : i32, i32, i32
  }
  func.func @transform_1(%arg0: i32) -> (i32, i32) {
    %c0_i32 = arith.constant 0 : i32
    %c0_i32_0 = arith.constant 0 : i32
    return %arg0, %c0_i32 : i32, i32
  }
  func.func @transform_2(%arg0: i32) -> (i32, i32) {
    %c0_i32 = arith.constant 0 : i32
    %c0_i32_0 = arith.constant 0 : i32
    %c0_i32_1 = arith.constant 0 : i32
    return %c0_i32, %c0_i32_0 : i32, i32
  }
  func.func @transform_3(%arg0: i32) -> (i32, i32) {
    %c0_i32 = arith.constant 0 : i32
    %c0_i32_0 = arith.constant 0 : i32
    %c0_i32_1 = arith.constant 0 : i32
    return %c0_i32, %c0_i32_0 : i32, i32
  }
  func.func @transform_4(%arg0: i32) -> (i32, i32) {
    %c0_i32 = arith.constant 0 : i32
    %c0_i32_0 = arith.constant 0 : i32
    %c0_i32_1 = arith.constant 0 : i32
    return %c0_i32, %c0_i32_0 : i32, i32
  }
  func.func @transform_5(%arg0: i32) -> (i32, i32) {
    %c0_i32 = arith.constant 0 : i32
    %c0_i32_0 = arith.constant 0 : i32
    %c0_i32_1 = arith.constant 0 : i32
    return %c0_i32, %c0_i32_0 : i32, i32
  }
  func.func @transform_6(%arg0: i32) -> (i32, i32) {
    %c0_i32 = arith.constant 0 : i32
    %c0_i32_0 = arith.constant 0 : i32
    %c0_i32_1 = arith.constant 0 : i32
    return %c0_i32, %c0_i32_0 : i32, i32
  }
  func.func @transform_7(%arg0: i32) -> (i32, i32) {
    %c0_i32 = arith.constant 0 : i32
    %c0_i32_0 = arith.constant 0 : i32
    %c0_i32_1 = arith.constant 0 : i32
    return %c0_i32, %c0_i32_0 : i32, i32
  }
  func.func @transform_8(%arg0: i32) -> (i32, i32) {
    %c0_i32 = arith.constant 0 : i32
    %c0_i32_0 = arith.constant 0 : i32
    %c0_i32_1 = arith.constant 0 : i32
    return %c0_i32, %c0_i32_0 : i32, i32
  }
  func.func @transform_9(%arg0: i32) -> (i32, i32) {
    %c0_i32 = arith.constant 0 : i32
    %c0_i32_0 = arith.constant 0 : i32
    return %arg0, %c0_i32 : i32, i32
  }
}

module attributes {stable_mosaic.version = 14 : i64} {
  func.func @body(%arg0: i32, %arg1: memref<2x1000x128xf32, #tpu.memory_space<vmem>>, %arg2: memref<1000x128xf32, #tpu.memory_space<vmem>>, %arg3: memref<128x128xf32, #tpu.memory_space<vmem>>, %arg4: memref<128x128xf32, #tpu.memory_space<vmem>>, %arg5: memref<1x128xf32, #tpu.memory_space<vmem>>, %arg6: memref<1000x128xf32, #tpu.memory_space<vmem>>) attributes {dimension_semantics = [#tpu.dimension_semantics<arbitrary>], iteration_bounds = array<i64: 10>, scalar_prefetch = 0 : i64, scratch_operands = 0 : i64, tpu.core_type = #tpu.core_type<tc>, window_params = [{transform_indices = @transform_0, window_bounds = array<i64: 2, 1000, 128>}, {transform_indices = @transform_1, window_bounds = array<i64: 1000, 128>}, {pipeline_mode = #tpu.pipeline_mode<synchronous>, transform_indices = @transform_2, window_bounds = array<i64: 128, 128>}, {pipeline_mode = #tpu.pipeline_mode<synchronous>, transform_indices = @transform_3, window_bounds = array<i64: 128, 128>}, {pipeline_mode = #tpu.pipeline_mode<synchronous>, transform_indices = @transform_4, window_bounds = array<i64: 1, 128>}, {transform_indices = @transform_5, window_bounds = array<i64: 1000, 128>}]} {
    %get3A = arith.constant 0 : index
    %get3A_0 = arith.constant 0 : index
    %get3A_1 = arith.constant 0 : index
    %get3A_2 = vector.load %arg1[%get3A, %get3A_0, %get3A_1] : memref<2x1000x128xf32, #tpu.memory_space<vmem>>, vector<1x1000x128xf32>
    %get3A_3 = vector.shape_cast %get3A_2 : vector<1x1000x128xf32> to vector<1000x128xf32>
    %get3A_4 = arith.constant 1 : index
    %get3A_5 = arith.constant 0 : index
    %get3A_6 = arith.constant 0 : index
    %get3A_7 = vector.load %arg1[%get3A_4, %get3A_5, %get3A_6] : memref<2x1000x128xf32, #tpu.memory_space<vmem>>, vector<1x1000x128xf32>
    %get3A_8 = vector.shape_cast %get3A_7 : vector<1x1000x128xf32> to vector<1000x128xf32>
    %add3A = arith.addf %get3A_3, %get3A_8 : vector<1000x128xf32>
    %get3A_9 = arith.constant 0 : index
    %get3A_10 = arith.constant 0 : index
    %get3A_11 = vector.load %arg3[%get3A_9, %get3A_10] : memref<128x128xf32, #tpu.memory_space<vmem>>, vector<128x128xf32>
    %dot_general3A = arith.constant dense<0.000000e+00> : vector<1000x128xf32>
    %dot_general3A_12 = tpu.matmul %add3A, %get3A_11, %dot_general3A {dimension_numbers = #tpu.dot_dimension_numbers<[1], [0], [0], [1], [0, 0, 1, 1], [], []>, transpose_lhs_hint = false} : vector<1000x128xf32>, vector<128x128xf32>, vector<1000x128xf32> -> vector<1000x128xf32>
    %get3A_13 = arith.constant 0 : index
    %get3A_14 = arith.constant 0 : index
    %get3A_15 = vector.load %arg2[%get3A_13, %get3A_14] : memref<1000x128xf32, #tpu.memory_space<vmem>>, vector<1000x128xf32>
    %get3A_16 = arith.constant 0 : index
    %get3A_17 = arith.constant 0 : index
    %get3A_18 = vector.load %arg4[%get3A_16, %get3A_17] : memref<128x128xf32, #tpu.memory_space<vmem>>, vector<128x128xf32>
    %dot_general3A_19 = arith.constant dense<0.000000e+00> : vector<1000x128xf32>
    %dot_general3A_20 = tpu.matmul %get3A_15, %get3A_18, %dot_general3A_19 {dimension_numbers = #tpu.dot_dimension_numbers<[1], [0], [0], [1], [0, 0, 1, 1], [], []>, transpose_lhs_hint = false} : vector<1000x128xf32>, vector<128x128xf32>, vector<1000x128xf32> -> vector<1000x128xf32>
    %add3A_21 = arith.addf %dot_general3A_12, %dot_general3A_20 : vector<1000x128xf32>
    %get3A_22 = arith.constant 0 : index
    %get3A_23 = arith.constant 0 : index
    %get3A_24 = vector.load %arg5[%get3A_22, %get3A_23] : memref<1x128xf32, #tpu.memory_space<vmem>>, vector<1x128xf32>
    %add3A_25 = vector.broadcast %get3A_24 : vector<1x128xf32> to vector<1000x128xf32>
    %add3A_26 = arith.addf %add3A_21, %add3A_25 : vector<1000x128xf32>
    %max3A = arith.constant 0.000000e+00 : f32
    %max3A_27 = vector.broadcast %max3A : f32 to vector<1000x128xf32>
    %max3A_28 = arith.maximumf %add3A_26, %max3A_27 : vector<1000x128xf32>
    %swap3A = arith.constant 0 : index
    %swap3A_29 = arith.constant 0 : index
    %swap3A_30 = vector.load %arg6[%swap3A, %swap3A_29] : memref<1000x128xf32, #tpu.memory_space<vmem>>, vector<1000x128xf32>
    tpu.vector_store %arg6[%swap3A, %swap3A_29], %max3A_28 {strides = array<i32>} : memref<1000x128xf32, #tpu.memory_space<vmem>>, vector<1000x128xf32>,
    return
  }
  func.func @transform_0(%arg0: i32) -> (i32, i32, i32) {
    %c0_i32 = arith.constant 0 : i32
    %c0_i32_0 = arith.constant 0 : i32
    %c0_i32_1 = arith.constant 0 : i32
    return %c0_i32, %arg0, %c0_i32_0 : i32, i32, i32
  }
  func.func @transform_1(%arg0: i32) -> (i32, i32) {
    %c0_i32 = arith.constant 0 : i32
    %c0_i32_0 = arith.constant 0 : i32
    return %arg0, %c0_i32 : i32, i32
  }
  func.func @transform_2(%arg0: i32) -> (i32, i32) {
    %c0_i32 = arith.constant 0 : i32
    %c0_i32_0 = arith.constant 0 : i32
    %c0_i32_1 = arith.constant 0 : i32
    return %c0_i32, %c0_i32_0 : i32, i32
  }
  func.func @transform_3(%arg0: i32) -> (i32, i32) {
    %c0_i32 = arith.constant 0 : i32
    %c0_i32_0 = arith.constant 0 : i32
    %c0_i32_1 = arith.constant 0 : i32
    return %c0_i32, %c0_i32_0 : i32, i32
  }
  func.func @transform_4(%arg0: i32) -> (i32, i32) {
    %c0_i32 = arith.constant 0 : i32
    %c0_i32_0 = arith.constant 0 : i32
    %c0_i32_1 = arith.constant 0 : i32
    return %c0_i32, %c0_i32_0 : i32, i32
  }
  func.func @transform_5(%arg0: i32) -> (i32, i32) {
    %c0_i32 = arith.constant 0 : i32
    %c0_i32_0 = arith.constant 0 : i32
    return %arg0, %c0_i32 : i32, i32
  }
}

</mosaic_0001>

<sc_bundles>
// kernel: kernel.6.cloned.1.call-start
scs
__scs_entry_jumppad:
0x0: {  	(pc) =	sbr.rel $0x88, $3  }
0x1: {  	(tag) =	ssettag $0x0;
	lr =	simm.s32 $0x1  }
0x2: {  	[smem:$0x3F95] =	sst lr;
	_ =	strace $0xD0000000  }
0x3: {  	_ = 	snop  }
0x4: {  	_ = 	snop  }
0x5: {  	_ = 	snop  }
0x6: {  	_ = 	snop  }
0x7: {  	_ = 	snop  }
__scs_overlays_trampoline_lowered:
0x8: {  	[smem:$0x3FA4] =	sst s0  }
0x9: {  	[smem:$0x3FA5] =	sst s1  }
0xa: {  	[smem:$0x3FA6] =	sst s2  }
0xb: {  	[smem:$0x3FA7] =	sst s3  }
0xc: {  	[smem:$0x3FA8] =	sst s4  }
0xd: {  	[smem:$0x3FA9] =	sst s5  }
0xe: {  	[smem:$0x3FAA] =	sst s6  }
0xf: {  	[smem:$0x3FAB] =	sst s7  }
0x10: {  	[smem:$0x3FAC] =	sst s8  }
0x11: {  	[smem:$0x3FAD] =	sst s9;
	s0 =	simm.s32 @!p0 $0x0  }
0x12: {  	s1 =	sld [smem:$0x3F93];
	s0 =	simm.s32 @p0 $0x1  }
0x13: {  	[smem:$0x3FAE] =	sst s0;
	s0 =	simm.s32 @!p1 $0x0  }
0x14: {  	s2 =	sld [smem:$0x3F92];
	s0 =	simm.s32 @p1 $0x1  }
0x15: {  	[smem:$0x3FAF] =	sst s0;
	s0 =	simm.s32 @!p2 $0x0  }
0x16: {  	s3 =	sld [smem:$0x3FDB];
	s0 =	simm.s32 @p2 $0x1  }
0x17: {  	s4 =	simm.s32 $0x1BF5;
	[smem:$0x3FB1] =	sst s0  }
0x18: {  	s0 =	sld [smem:$0x3F94];
	_ =	swait.ge [sflag:s4], $0x0  }
0x19: {  	s7 =	sld [smem:$0x3F95]  }
0x1a: {  	s8 =	sadd.s32 $0xFFFFE003, lr  }
0x1b: {  	s9 =	sadd.s32 $0xFFFFFEF7, lr;
	s5 =	simm.s32 $0xFFFFFFFF;
	p2 =	slt.u32 s8, $0xFFFFF086  }
0x1c: {  	p1 =	slt.u32 s9, $0xF7A;
	s5 =	simm.s32 @!p2 $0x0  }
0x1d: {  	s5 =	simm.s32 @p1 $0x1;
	p0 =	seq.s32 s7, s2  }
0x1e: {  	s7 =	smul.u32 @!p0 $0xF7A, s2;
	p2 =	seq.s32 @!p0 s5, $0x0  }
0x1f: {  	s9 =	smul.u32 $0xF7A, s1;
	s8 =	simm.s32 @!p0 $0x1BF5;
	p2 =	por !p2, p0  }
0x20: {  	[sflag:s8] =	ssyncset.s32 @!p0 $0xFFFFF086;
	s6 =	sadd.s32 @!p0 s3, s7;
	s7 =	simm.s32 @!p0 $0x108  }
0x21: {  	s3 =	sadd.s32 s3, s9;
	s6 =	sadd.s32 @!p0 $0x88, s6;
	s7 =	simm.s32 @p2 $0x1082  }
0x22: {  	[simem:s7], [sflag:s8] =	dma.local @!p0 [hbm:s6], $0xF7A  }
0x23: {  	s9 =	sor.u32 $0xD0000000, s2;
	s6 =	simm.s32 $0x108;
	_ =	swait.ge @!p0 [sflag:s8], $0x0  }
0x24: {  	s3 =	sadd.s32 $0x88, s3;
	s6 =	simm.s32 @!p1 $0x1082;
	[sflag:s4] =	ssyncset.s32 $0xFFFFF086  }
0x25: {  	[simem:s6], [sflag:s4] =	dma.local [hbm:s3], $0xF7A  }
0x26: {  	[smem:$0x3F95] =	sst s1;
	(tag) =	ssettag s2;
	_ =	strace s9  }
0x27: {  	s1 =	sld [smem:$0x3FA5]  }
0x28: {  	s2 =	sld [smem:$0x3FA6]  }
0x29: {  	s4 =	sld [smem:$0x3FA8]  }
0x2a: {  	p0 =	seq.s32 s5, $0x0;
	s5 =	sld [smem:$0x3FA9]  }
0x2b: {  	s6 =	sld [smem:$0x3FAA]  }
0x2c: {  	s7 =	sld [smem:$0x3FAB]  }
0x2d: {  	s3 =	simm.s32 $0x108;
	s8 =	sld [smem:$0x3FAC]  }
0x2e: {  	s3 =	simm.s32 @!p0 $0x1082;
	s9 =	sld [smem:$0x3FAD]  }
0x2f: {  	lr =	sadd.s32 s0, s3;
	s0 =	sld [smem:$0x3FA4]  }
0x30: {  	s3 =	sld [smem:$0x3FA7]  }
0x31: {  	[smem:$0x3FB0] =	sst s10  }
0x32: {  	s10 =	sld [smem:$0x3FAE];
	_ =	sdelay $0x3  }
0x33: {  	p0 =	seq.s32 s10, $0x1;
	s10 =	sld [smem:$0x3FB0];
	_ =	sdelay $0x3  }
0x34: {  	[smem:$0x3FB0] =	sst s10  }
0x35: {  	s10 =	sld [smem:$0x3FAF];
	_ =	sdelay $0x3  }
0x36: {  	p1 =	seq.s32 s10, $0x1;
	s10 =	sld [smem:$0x3FB0];
	_ =	sdelay $0x3  }
0x37: {  	[smem:$0x3FB0] =	sst s10  }
0x38: {  	s10 =	sld [smem:$0x3FB1]  }
0x39: {  	_ = 	snop;
	(pc) =	sbr.ind lr, $3  }
0x3a: {  	_ = 	snop  }
0x3b: {  	_ = 	snop  }
0x3c: {  	p2 =	seq.s32 s10, $0x1;
	s10 =	sld [smem:$0x3FB0]  }
0x3d: {  	_ =	shalt  }
0x3e: {  	_ =	shalt  }
0x3f: {  	_ =	shalt  }
0x40: {  	_ =	shalt  }
0x41: {  	_ =	shalt  }
0x42: {  	_ =	shalt  }
0x43: {  	_ =	shalt  }
0x44: {  	_ =	shalt  }
0x45: {  	_ =	shalt  }
0x46: {  	_ =	shalt  }
0x47: {  	_ =	shalt  }
0x48: {  	_ =	shalt  }
0x49: {  	_ =	shalt  }
0x4a: {  	_ =	shalt  }
0x4b: {  	_ =	shalt  }
0x4c: {  	_ =	shalt  }
0x4d: {  	_ =	shalt  }
0x4e: {  	_ =	shalt  }
0x4f: {  	_ =	shalt  }
0x50: {  	_ =	shalt  }
0x51: {  	_ =	shalt  }
0x52: {  	_ =	shalt  }
0x53: {  	_ =	shalt  }
0x54: {  	_ =	shalt  }
0x55: {  	_ =	shalt  }
0x56: {  	_ =	shalt  }
0x57: {  	_ =	shalt  }
0x58: {  	_ =	shalt  }
0x59: {  	_ =	shalt  }
0x5a: {  	_ =	shalt  }
0x5b: {  	_ =	shalt  }
0x5c: {  	_ =	shalt  }
0x5d: {  	_ =	shalt  }
0x5e: {  	_ =	shalt  }
0x5f: {  	_ =	shalt  }
0x60: {  	_ =	shalt  }
0x61: {  	_ =	shalt  }
0x62: {  	_ =	shalt  }
0x63: {  	_ =	shalt  }
0x64: {  	_ =	shalt  }
0x65: {  	_ =	shalt  }
0x66: {  	_ =	shalt  }
0x67: {  	_ =	shalt  }
0x68: {  	_ =	shalt  }
0x69: {  	_ =	shalt  }
0x6a: {  	_ =	shalt  }
0x6b: {  	_ =	shalt  }
0x6c: {  	_ =	shalt  }
0x6d: {  	_ =	shalt  }
0x6e: {  	_ =	shalt  }
0x6f: {  	_ =	shalt  }
0x70: {  	_ =	shalt  }
0x71: {  	_ =	shalt  }
0x72: {  	_ =	shalt  }
0x73: {  	_ =	shalt  }
0x74: {  	_ =	shalt  }
0x75: {  	_ =	shalt  }
0x76: {  	_ =	shalt  }
0x77: {  	_ =	shalt  }
0x78: {  	_ =	shalt  }
0x79: {  	_ =	shalt  }
0x7a: {  	_ =	shalt  }
0x7b: {  	_ =	shalt  }
0x7c: {  	_ =	shalt  }
0x7d: {  	_ =	shalt  }
0x7e: {  	_ =	shalt  }
0x7f: {  	_ =	shalt  }
0x80: {  	_ =	shalt  }
0x81: {  	_ =	shalt  }
0x82: {  	_ =	shalt  }
0x83: {  	_ =	shalt  }
0x84: {  	_ =	shalt  }
0x85: {  	_ =	shalt  }
0x86: {  	_ =	shalt  }
0x87: {  	_ =	shalt  }
.Lfunc_end0:
.L_simem_size_0:
called_computation_lowered:
.L_overlay_start_0:
0x88: {  	s2 =	sld [smem:$0x3FD9]  }
0x89: {  	s3 =	sld [smem:$0x3FFE];
	_ =	sdelay $0x1  }
0x8a: {  	s1 =	srdreg.scid  }
0x8b: {  	s0 =	sand.u32 $0x1, s1  }
0x8c: {  	s17 =	sshll.u32 s0, $0xA;
	s2 =	sadd.s32 s3, s2  }
0x8d: {  	s2 =	sadd.s32 s2, s17  }
0x8e: {  	[smem:$0x3FBC] =	sst s2  }
0x8f: {  	_ = 	snop  }
0x90: {  	s2 =	sld [smem:$0x3FC9];
	(tm) =	ssettm $0x1  }
0x91: {  	s18 =	sld [smem:$0x3FFB];
	_ =	sdelay $0x3  }
0x92: {  	_ =	strace s18  }
0x93: {  	s3 =	sld [smem:$0x3FFC];
	_ =	sdelay $0x3  }
0x94: {  	_ =	strace s3  }
0x95: {  	s3 =	sld [smem:$0x3FFD];
	_ =	sdelay $0x3  }
0x96: {  	_ =	strace s3  }
0x97: {  	_ =	strace $0x8FFFFFFF  }
0x98: {  	s19 =	sld [smem:$0x3FDB];
	_ =	sdelay $0x1  }
0x99: {  	s4 =	simm.s32 $_scs_section_size  }
0x9a: {  	s5 =	simm.s32 $_size__tile_overlayer_lowered;
	s6 =	simm.s32 $_tile_overlayer_lowered  }
0x9b: {  	s22 =	simm.s32 $0x1BFF;
	s21 =	sshll.u32 s6, $0x1;
	s3 =	sadd.s32 s4, s19  }
0x9c: {  	s7 =	simm.s32 $0x0;
	s20 =	sshll.u32 s5, $0x1;
	s5 =	sadd.s32 s21, s3  }
0x9d: {  	[timem:s7], [sflag:s22] =	dma.local [hbm:s5], s20  }
0x9e: {  	_ =	swait.ge [sflag:s22], s20  }
0x9f: {  	s4 =	ssub.s32 $0x0, s20;
	[sflag:s22] =	ssyncset.done $0x0  }
0xa0: {  	[sflag:s22] =	ssyncadd.s32 s4;
	_ =	sdelay $0x1  }
0xa1: {  	s23 =	simm.s32 $0x1B8B  }
0xa2: {  	_ =	swait.ge [sflag:s23], $0x1  }
0xa3: {  	[sflag:s23] =	ssyncset.done $0x0  }
0xa4: {  	s25 =	simm.s32 $0x1B8E;
	s24 =	sld [smem:$0x3FFE];
	[sflag:s23] =	ssyncadd.s32 $0xFFFFFFFF  }
0xa5: {  	s26 =	simm.s32 $execute0_lowered;
	[smem:$0x3FD2] =	sst s25  }
0xa6: {  	s5 =	sshll.u32 s26, $0x1;
	_ =	strace $0x80000046;
	[dreg:$0x1] =	wrdreg $0xFFFFFFFF  }
0xa7: {  	s28 =	simm.s32 $_size_execute0_lowered;
	s3 =	sadd.s32 s3, s5;
	[dreg:$0x0] =	wrdreg $0x0  }
0xa8: {  	s5 =	sshll.u32 s28, $0x1;
	[dreg:$0x2] =	wrdreg s3  }
0xa9: {  	[dreg:$0x3] =	wrdreg s5  }
0xaa: {  	[dreg:$0x4] =	wrdreg $0xC0  }
0xab: {  	_ =	task [dreg:s7], $0x5FFFF  }
0xac: {  	[dreg:$0x1] =	wrdreg $0xFFFFFFFF  }
0xad: {  	[dreg:$0x0] =	wrdreg $0x60  }
0xae: {  	[dreg:$0x2] =	wrdreg s2  }
0xaf: {  	[dreg:$0x3] =	wrdreg s24  }
0xb0: {  	[dreg:$0x4] =	wrdreg $0x82000  }
0xb1: {  	[dreg:$0x5] =	wrdreg $0x9  }
0xb2: {  	_ =	task.clear_ibuf [dreg:s7], $0x6FFFF;
	_ =	strace $0x90000046  }
0xb3: {  	s29 =	simm.s32 $0x9;
	_ =	strace $0x80000048  }
0xb4: {  	_ =	swait.ge [sflag:s29], $0x1  }
0xb5: {  	[sflag:s29] =	ssyncadd.s32 $0xFFFFFFFF  }
0xb6: {  	_ =	strace $0x90000048  }
0xb7: {  	_ =	sfence  }
0xb8: {  	s30 =	sld [smem:$0x0];
	_ =	sdelay $0x2  }
0xb9: {  	s31 =	sshll.u32 s1, $0xD;
	s1 =	sshrl.u32 s1, $0x2  }
0xba: {  	s3 =	sand.u32 $0x4000, s31;
	s1 =	sadd.s32 s1, s30  }
0xbb: {  	s0 =	sor.u32 s3, s0;
	s1 =	sshll.u32 s1, $0x11  }
0xbc: {  	s0 =	sor.u32 s1, s0  }
0xbd: {  	s0 =	sadd.s32 $0x8F2B, s0  }
0xbe: {  	[sflag:s0] =	ssyncadd.remote.s32 $0x1  }
0xbf: {  	_ =	sfence.sel $0xFFFF  }
0xc0: {  	[dreg:$0x0] =	wrdreg $0xFFFFFFFF;
	(pc) =	sbr.abs _section_cstart, $3  }
0xc1: {  	[dreg:$0x1] =	wrdreg $0xFFFFFFFF  }
0xc2: {  	_ =	task.clear_ibuf [dreg:s7], $0x2FFFF;
	_ =	strace $0x9FFFFFFF  }
0xc3: {  	(tm) =	ssettm $0x7FFFFFFF  }
tec
execute0_lowered:
.L_overlay_start_1:
0x0: {  	(tag) =	ssettag $0x1  }
0x1: {  	s1 =	rddreg [dreg:$0x0]  }
0x2: {  	s0 =	rddreg [dreg:$0x1]  }
0x3: {  	s2 =	rddreg [dreg:$0x2]  }
0x4: {  	s3 =	simm.s32 $0x0;
	s4 =	srdreg.scid;
	s18 =	stileid.u32  }
0x5: {  	s28 =	simm.s32 $0x2;
	s29 =	simm.s32 $0x5;
	s30 =	simm.s32 $0x6  }
0x6: {  	s31 =	simm.s32 $0x0;
	[smem:$0x7FF] =	sst s3;
	s4 =	sand.u32 $0x1, s4  }
0x7: {  	s7 =	sadd.s32 $0xC200, s0;
	s8 =	sadd.s32 $0x2400, s0;
	s5 =	sadd.s32 $0x16000, s0  }
0x8: {  	p0 =	slt.u32 s18, $0xD;
	s15 =	smul.u32 $0xA000, s18;
	s16 =	sshll.u32 s18, $0x4  }
0x9: {  	_ =	strace $0x80000047;
	s6 =	ssub.s32 $0x2, s4;
	s10 =	sshll.u32 s4, $0x4  }
0xa: {  	s17 =	smul.u32 $0x138800, s4;
	s25 =	sshll.u32 s4, $0x8;
	s9 =	sshrl.u32 s6, $0x1  }
0xb: {  	s14 =	sor.u32 s18, s10;
	s26 =	sshrl.u32 s15, $0x2;
	s0 =	sadd.s32 s25, s8  }
0xc: {  	s19 =	ssub.s32 s6, s9;
	s6 =	simm.s32 $0x8;
	s11 =	sshll.u32 s14, $0x4  }
0xd: {  	s18 =	smul.u32 $0x2800, s18;
	s6 =	simm.s32 @!p0 $0x7;
	s20 =	sadd.s32 s7, s11  }
0xe: {  	s21 =	sor.u32 $0x200, s11;
	s22 =	sadd.s32 s8, s11;
	s13 =	sor.u32 $0x9C00, s11  }
0xf: {  	s11 =	smax.u32 s19, $0x1;
	s17 =	sadd.s32 s18, s17;
	s18 =	simm.s32 $0x200  }
0x10: {  	s19 =	simm.s32 $0x7;
	p0 =	sgt.u32 s14, $0x3;
	[dreg:$0x4] =	wrdreg s20  }
0x11: {  	[dreg:$0x5] =	wrdreg s22;
	s23 =	sadd.s32 s7, s21;
	s24 =	sadd.s32 s8, s21  }
0x12: {  	s12 =	sadd.s32 s7, s13;
	s13 =	sadd.s32 s8, s13;
	s7 =	sadd.s32 s25, s7  }
0x13: {  	s8 =	sadd.s32 s26, s2;
	s20 =	simm.s32 $0x80;
	s21 =	simm.s32 $0x3  }
0x14: {  	s22 =	simm.s32 $0x100;
	s25 =	simm.s32 $0x4200;
	[dreg:$0x6] =	wrdreg s23  }
0x15: {  	s26 =	simm.s32 $0x1;
	[dreg:$0x7] =	wrdreg s24;
	s15 =	sadd.s32 s16, s7  }
0x16: {  	v0 =	vimm.f32 $0.0e+00;
	s16 =	sadd.s32 s16, s0;
	s23 =	simm.s32 $0x180;
	s24 =	simm.s32 $0x4  }
.LBB2_1:
0x17: {  	s0 =	simm.s32 $0x0;
	s4 =	simm.s32 $0x200  }
.LBB2_2:
0x18: {  	p1 =	sne.s32 s4, $0x9E00;
	[tilespmem:s0+$0x270] =	vst v0  }
0x19: {  	[tilespmem:s0+$0x200] =	vst v0  }
0x1a: {  	[tilespmem:s0+$0x210] =	vst v0  }
.Ltmp0:
0x1b: {  	[tilespmem:s0+$0x220] =	vst v0;
	(pc) =	sbr.rel @p1 .LBB2_2-.Ltmp0, $4  }
0x1c: {  	[tilespmem:s0+$0x230] =	vst v0  }
0x1d: {  	[tilespmem:s0+$0x240] =	vst v0  }
0x1e: {  	[tilespmem:s0+$0x250] =	vst v0  }
0x1f: {  	[tilespmem:s0+$0x260] =	vst v0;
	s0 =	sshra.s32 s4, $0x2;
	s4 =	sadd.s32 $0x200, s4  }
0x20: {  	[tilespmem:s0+$0x270] =	vst v0  }
0x21: {  	[tilespmem:s0+$0x200] =	vst v0  }
0x22: {  	[tilespmem:s0+$0x210] =	vst v0  }
0x23: {  	[tilespmem:s0+$0x220] =	vst v0  }
0x24: {  	[tilespmem:s0+$0x230] =	vst v0  }
0x25: {  	[tilespmem:s0+$0x240] =	vst v0;
	p1 =	sne.s32 s6, $0x1  }
.Ltmp1:
0x26: {  	[tilespmem:s0+$0x250] =	vst v0;
	(pc) =	sbr.rel @!p1 .LBB2_5-.Ltmp1, $4  }
0x27: {  	[tilespmem:s0+$0x260] =	vst v0  }
0x28: {  	[spmem:s8] =	stream.linear.scatter [tilespmem:s18], [sflag:$0x7], $0x2800, $0x38;
	[tilespmem:$0x1BA80] =	vst v63  }
0x29: {  	_ =	swait.ge [sflag:s19], $0x2800  }
0x2a: {  	s0 =	sadd.s32 $0xFFFFFFFF, s6;
	s4 =	smov.u32 s8;
	[sflag:s19] =	ssyncset.done $0x0  }
.LBB2_4:
0x2b: {  	p2 =	sne.s32 s0, $0x1;
	[sflag:s19] =	ssyncadd.s32 $0xFFFFD800;
	s4 =	sadd.s32 $0x28000, s4  }
.Ltmp2:
0x2c: {  	s0 =	sadd.s32 $0xFFFFFFFF, s0;
	(pc) =	sbr.rel @p2 .LBB2_4-.Ltmp2, $4  }
0x2d: {  	_ = 	snop  }
0x2e: {  	[spmem:s4] =	stream.linear.scatter [tilespmem:s18], [sflag:$0x7], $0x2800, $0x38;
	[tilespmem:$0x1BA80] =	vst v63  }
0x2f: {  	_ =	swait.ge [sflag:s19], $0x2800  }
0x30: {  	[sflag:s19] =	ssyncset.done $0x0  }
.LBB2_5:
0x31: {  	[sflag:s19] =	ssyncadd.s32 $0xFFFFD800  }
0x32: {  	[bflag:$0x0] =	sbarrier.arrive $0xFFFF  }
0x33: {  	s0 =	simm.s32 $0x0;
	s4 =	rddreg [dreg:$0x4]  }
0x34: {  	[tilespmem:s0], [sflag:$0x3] =	stream.linear.gather [hbm4b:s4+s0], $0x80, $0x38;
	[tilespmem:$0x1BA80] =	vst v63  }
0x35: {  	s10 =	rddreg [dreg:$0x5]  }
0x36: {  	[tilespmem:s20], [sflag:$0x3] =	stream.linear.gather [hbm4b:s10+s0], $0x80, $0x38;
	[tilespmem:$0x1BA80] =	vst v63  }
0x37: {  	_ =	swait.ge [sflag:s21], $0x80  }
0x38: {  	[sflag:s21] =	ssyncset.done $0x0  }
0x39: {  	[sflag:s21] =	ssyncadd.s32 $0xFFFFFF80  }
0x3a: {  	_ =	swait.ge [sflag:s21], $0x80  }
0x3b: {  	[sflag:s21] =	ssyncset.done $0x0  }
0x3c: {  	[sflag:s21] =	ssyncadd.s32 $0xFFFFFF80  }
0x3d: {  	[tilespmem:s18], [sflag:$0x1] =	stream.indirect.gather [hbm4b:s1+s20], $0x80, s0, s20, $0xb8;
	[tilespmem:$0x1BA80] =	vst v63  }
0x3e: {  	s14 =	rddreg [dreg:$0x6]  }
0x3f: {  	[tilespmem:s22], [sflag:$0x4] =	stream.linear.gather [hbm4b:s14+s0], $0x80, $0x38;
	[tilespmem:$0x1BA80] =	vst v63  }
0x40: {  	s7 =	rddreg [dreg:$0x7]  }
0x41: {  	[tilespmem:s23], [sflag:$0x4] =	stream.linear.gather [hbm4b:s7+s0], $0x80, $0x38;
	[tilespmem:$0x1BA80] =	vst v63  }
0x42: {  	_ =	swait.ge [sflag:s24], $0x80  }
0x43: {  	[sflag:s24] =	ssyncset.done $0x0  }
0x44: {  	[sflag:s24] =	ssyncadd.s32 $0xFFFFFF80  }
0x45: {  	_ =	swait.ge [sflag:s24], $0x80  }
0x46: {  	[sflag:s24] =	ssyncset.done $0x0  }
0x47: {  	[sflag:s24] =	ssyncadd.s32 $0xFFFFFF80  }
0x48: {  	[tilespmem:s25], [sflag:$0x2] =	stream.indirect.gather [hbm4b:s1+s20], $0x80, s22, s20, $0xb8;
	[tilespmem:$0x1BA80] =	vst v63  }
0x49: {  	_ =	swait.ge [sflag:s26], $0x4000  }
0x4a: {  	[sflag:s26] =	ssyncset.done $0x0  }
0x4b: {  	[sflag:s26] =	ssyncadd.s32 $0xFFFFC000  }
0x4c: {  	[spmem:s2] =	stream.indirect.scatter.add.f32 [tilespmem:s18], [sflag:$0x5], $0x80, s20, s20, $0xb8;
	[tilespmem:$0x1BA80] =	vst v63  }
0x4d: {  	_ =	swait.ge [sflag:s28], $0x4000  }
0x4e: {  	[sflag:s28] =	ssyncset.done $0x0  }
0x4f: {  	[sflag:s28] =	ssyncadd.s32 $0xFFFFC000  }
0x50: {  	[spmem:s2] =	stream.indirect.scatter.add.f32 [tilespmem:s25], [sflag:$0x6], $0x80, s23, s20, $0xb8;
	[tilespmem:$0x1BA80] =	vst v63  }
0x51: {  	_ =	swait.ge [sflag:s29], $0x4000  }
0x52: {  	s9 =	sadd.s32 $0x0, s15;
	[sflag:s29] =	ssyncset.done $0x0  }
0x53: {  	s10 =	sadd.s32 $0x400, s9;
	s7 =	sadd.s32 $0x0, s16;
	[sflag:s29] =	ssyncadd.s32 $0xFFFFC000  }
0x54: {  	[tilespmem:s3], [sflag:$0x3] =	stream.linear.gather [hbm4b:s10+s3], $0x80, $0x38;
	[tilespmem:$0x1BA80] =	vst v63  }
0x55: {  	s14 =	sadd.s32 $0x400, s7  }
0x56: {  	[tilespmem:s20], [sflag:$0x3] =	stream.linear.gather [hbm4b:s14+s3], $0x80, $0x38;
	[tilespmem:$0x1BA80] =	vst v63  }
0x57: {  	_ =	swait.ge [sflag:s21], $0x80  }
0x58: {  	[sflag:s21] =	ssyncset.done $0x0  }
0x59: {  	[sflag:s21] =	ssyncadd.s32 $0xFFFFFF80  }
0x5a: {  	_ =	swait.ge [sflag:s21], $0x80  }
0x5b: {  	[sflag:s21] =	ssyncset.done $0x0  }
0x5c: {  	[sflag:s21] =	ssyncadd.s32 $0xFFFFFF80  }
0x5d: {  	[tilespmem:s18], [sflag:$0x1] =	stream.indirect.gather [hbm4b:s1+s20], $0x80, s3, s20, $0xb8;
	[tilespmem:$0x1BA80] =	vst v63  }
0x5e: {  	_ =	swait.ge [sflag:s30], $0x4000  }
0x5f: {  	[sflag:s30] =	ssyncset.done $0x0  }
0x60: {  	s0 =	sadd.s32 $0x600, s9;
	[sflag:s30] =	ssyncadd.s32 $0xFFFFC000  }
0x61: {  	[tilespmem:s22], [sflag:$0x4] =	stream.linear.gather [hbm4b:s0+s3], $0x80, $0x38;
	[tilespmem:$0x1BA80] =	vst v63  }
0x62: {  	s4 =	sadd.s32 $0x600, s7;
	s0 =	simm.s32 $0x400  }
.LBB2_6:
0x63: {  	[tilespmem:s23], [sflag:$0x4] =	stream.linear.gather [hbm4b:s4+s3], $0x80, $0x38;
	[tilespmem:$0x1BA80] =	vst v63  }
0x64: {  	s4 =	smov.u32 s0  }
0x65: {  	p2 =	sne.s32 s0, $0x9400;
	s0 =	sadd.s32 $0x400, s0;
	_ =	swait.ge [sflag:s24], $0x80  }
0x66: {  	[sflag:s24] =	ssyncset.done $0x0  }
0x67: {  	[sflag:s24] =	ssyncadd.s32 $0xFFFFFF80  }
0x68: {  	_ =	swait.ge [sflag:s24], $0x80  }
0x69: {  	[sflag:s24] =	ssyncset.done $0x0  }
0x6a: {  	[sflag:s24] =	ssyncadd.s32 $0xFFFFFF80  }
0x6b: {  	[tilespmem:s25], [sflag:$0x2] =	stream.indirect.gather [hbm4b:s1+s20], $0x80, s22, s20, $0xb8;
	[tilespmem:$0x1BA80] =	vst v63  }
0x6c: {  	_ =	swait.ge [sflag:s26], $0x4000  }
0x6d: {  	[sflag:s26] =	ssyncset.done $0x0  }
0x6e: {  	[sflag:s26] =	ssyncadd.s32 $0xFFFFC000  }
0x6f: {  	[spmem:s2] =	stream.indirect.scatter.add.f32 [tilespmem:s18], [sflag:$0x5], $0x80, s20, s20, $0xb8;
	[tilespmem:$0x1BA80] =	vst v63  }
0x70: {  	_ =	swait.ge [sflag:s28], $0x4000  }
0x71: {  	[sflag:s28] =	ssyncset.done $0x0  }
0x72: {  	[sflag:s28] =	ssyncadd.s32 $0xFFFFC000  }
0x73: {  	[spmem:s2] =	stream.indirect.scatter.add.f32 [tilespmem:s25], [sflag:$0x6], $0x80, s23, s20, $0xb8;
	[tilespmem:$0x1BA80] =	vst v63  }
0x74: {  	_ =	swait.ge [sflag:s29], $0x4000  }
0x75: {  	s7 =	sadd.s32 s4, s15;
	[sflag:s29] =	ssyncset.done $0x0  }
0x76: {  	s4 =	sadd.s32 s4, s16;
	s14 =	sadd.s32 $0x400, s7;
	[sflag:s29] =	ssyncadd.s32 $0xFFFFC000  }
0x77: {  	[tilespmem:s3], [sflag:$0x3] =	stream.linear.gather [hbm4b:s14+s3], $0x80, $0x38;
	[tilespmem:$0x1BA80] =	vst v63  }
0x78: {  	s14 =	sadd.s32 $0x400, s4  }
0x79: {  	[tilespmem:s20], [sflag:$0x3] =	stream.linear.gather [hbm4b:s14+s3], $0x80, $0x38;
	[tilespmem:$0x1BA80] =	vst v63  }
0x7a: {  	_ =	swait.ge [sflag:s21], $0x80  }
0x7b: {  	[sflag:s21] =	ssyncset.done $0x0  }
0x7c: {  	[sflag:s21] =	ssyncadd.s32 $0xFFFFFF80  }
0x7d: {  	_ =	swait.ge [sflag:s21], $0x80  }
0x7e: {  	[sflag:s21] =	ssyncset.done $0x0  }
0x7f: {  	[sflag:s21] =	ssyncadd.s32 $0xFFFFFF80  }
0x80: {  	[tilespmem:s18], [sflag:$0x1] =	stream.indirect.gather [hbm4b:s1+s20], $0x80, s3, s20, $0xb8;
	[tilespmem:$0x1BA80] =	vst v63  }
.Ltmp3:
0x81: {  	_ =	swait.ge [sflag:s30], $0x4000;
	(pc) =	sbr.rel @p2 .LBB2_6-.Ltmp3, $4  }
0x82: {  	[sflag:s30] =	ssyncset.done $0x0  }
0x83: {  	s7 =	sadd.s32 $0x600, s7;
	[sflag:s30] =	ssyncadd.s32 $0xFFFFC000  }
0x84: {  	[tilespmem:s22], [sflag:$0x4] =	stream.linear.gather [hbm4b:s7+s3], $0x80, $0x38;
	[tilespmem:$0x1BA80] =	vst v63  }
0x85: {  	s4 =	sadd.s32 $0x600, s4  }
0x86: {  	[tilespmem:s23], [sflag:$0x4] =	stream.linear.gather [hbm4b:s4+s3], $0x80, $0x38;
	[tilespmem:$0x1BA80] =	vst v63  }
0x87: {  	_ =	swait.ge [sflag:s24], $0x80  }
0x88: {  	[sflag:s24] =	ssyncset.done $0x0  }
0x89: {  	[sflag:s24] =	ssyncadd.s32 $0xFFFFFF80  }
0x8a: {  	_ =	swait.ge [sflag:s24], $0x80  }
0x8b: {  	[sflag:s24] =	ssyncset.done $0x0  }
0x8c: {  	[sflag:s24] =	ssyncadd.s32 $0xFFFFFF80  }
0x8d: {  	[tilespmem:s25], [sflag:$0x2] =	stream.indirect.gather [hbm4b:s1+s20], $0x80, s22, s20, $0xb8;
	[tilespmem:$0x1BA80] =	vst v63  }
0x8e: {  	_ =	swait.ge [sflag:s26], $0x4000  }
0x8f: {  	[sflag:s26] =	ssyncset.done $0x0  }
0x90: {  	[sflag:s26] =	ssyncadd.s32 $0xFFFFC000  }
0x91: {  	[spmem:s2] =	stream.indirect.scatter.add.f32 [tilespmem:s18], [sflag:$0x5], $0x80, s20, s20, $0xb8;
	[tilespmem:$0x1BA80] =	vst v63  }
0x92: {  	_ =	swait.ge [sflag:s28], $0x4000  }
0x93: {  	[sflag:s28] =	ssyncset.done $0x0  }
0x94: {  	[sflag:s28] =	ssyncadd.s32 $0xFFFFC000  }
0x95: {  	[spmem:s2] =	stream.indirect.scatter.add.f32 [tilespmem:s25], [sflag:$0x6], $0x80, s23, s20, $0xb8;
	[tilespmem:$0x1BA80] =	vst v63  }
0x96: {  	_ =	swait.ge [sflag:s29], $0x4000  }
0x97: {  	[sflag:s29] =	ssyncset.done $0x0  }
0x98: {  	s0 =	simm.s32 @!p0 $0x0;
	[sflag:s29] =	ssyncadd.s32 $0xFFFFC000  }
0x99: {  	[tilespmem:s0], [sflag:$0x3] =	stream.linear.gather @!p0 [hbm4b:s12+s0], $0x80, $0x38;
	[tilespmem:$0x1BA80] =	vst v63  }
0x9a: {  	s4 =	simm.s32 @!p0 $0x80;
	s7 =	simm.s32 @!p0 $0x3  }
0x9b: {  	[tilespmem:s4], [sflag:$0x3] =	stream.linear.gather @!p0 [hbm4b:s13+s0], $0x80, $0x38;
	[tilespmem:$0x1BA80] =	vst v63  }
0x9c: {  	_ =	swait.ge @!p0 [sflag:s7], $0x80  }
0x9d: {  	[sflag:s7] =	ssyncset.done @!p0 $0x0  }
0x9e: {  	[sflag:s7] =	ssyncadd.s32 @!p0 $0xFFFFFF80  }
0x9f: {  	_ =	swait.ge @!p0 [sflag:s7], $0x80  }
0xa0: {  	[sflag:s7] =	ssyncset.done @!p0 $0x0  }
0xa1: {  	[sflag:s7] =	ssyncadd.s32 @!p0 $0xFFFFFF80;
	s7 =	simm.s32 @!p0 $0x200  }
0xa2: {  	[tilespmem:s7], [sflag:$0x1] =	stream.indirect.gather @!p0 [hbm4b:s1+s4], $0x80, s0, s4, $0xb8;
	[tilespmem:$0x1BA80] =	vst v63  }
0xa3: {  	s0 =	simm.s32 @!p0 $0x6  }
0xa4: {  	_ =	swait.ge @!p0 [sflag:s0], $0x4000  }
0xa5: {  	[sflag:s0] =	ssyncset.done @!p0 $0x0  }
0xa6: {  	[sflag:s0] =	ssyncadd.s32 @!p0 $0xFFFFC000;
	s0 =	simm.s32 @!p0 $0x1  }
0xa7: {  	_ =	swait.ge @!p0 [sflag:s0], $0x4000  }
0xa8: {  	[sflag:s0] =	ssyncset.done @!p0 $0x0  }
0xa9: {  	[sflag:s0] =	ssyncadd.s32 @!p0 $0xFFFFC000;
	s0 =	simm.s32 @!p0 $0x7  }
0xaa: {  	[spmem:s2] =	stream.indirect.scatter.add.f32 @!p0 [tilespmem:s7], [sflag:$0x7], $0x80, s4, s4, $0xb8;
	[tilespmem:$0x1BA80] =	vst v63  }
0xab: {  	s0 =	simm.s32 @p0 $0x6  }
0xac: {  	s9 =	stileid.u32;
	_ =	swait.ge [sflag:s0], $0x4000  }
.Ltmp4:
0xad: {  	s10 =	sshrl.u32 s17, $0x3;
	[sflag:s0] =	ssyncset.done $0x0;
	(pc) =	sbr.rel @!p1 .LBB2_9-.Ltmp4, $4  }
0xae: {  	s14 =	sshrl.u32 s8, $0x3;
	[sflag:s0] =	ssyncadd.s32 $0xFFFFC000;
	s0 =	sshll.u32 s9, $0x6  }
0xaf: {  	s4 =	sadd.s32 s5, s10;
	[bflag:$0x0] =	sbarrier.arrive $0xFFFF;
	s0 =	sor.u32 $0x1C07, s0  }
0xb0: {  	[hbm:s4], [sflag:s0] =	dma.local [spmem:s14], $0x500  }
0xb1: {  	s7 =	sadd.s32 $0x28000, s17;
	s4 =	sadd.s32 $0xFFFFFFFF, s6;
	s14 =	smov.u32 s8  }
.LBB2_8:
0xb2: {  	_ =	swait.ge [sflag:s19], $0x500  }
0xb3: {  	s14 =	sadd.s32 $0x28000, s14;
	s9 =	sshrl.u32 s7, $0x3;
	p1 =	sne.s32 s4, $0x1  }
.Ltmp5:
0xb4: {  	s10 =	sshrl.u32 s14, $0x3;
	[sflag:s19] =	ssyncset.done $0x0;
	(pc) =	sbr.rel @p1 .LBB2_8-.Ltmp5, $4  }
0xb5: {  	s9 =	sadd.s32 s5, s9;
	[sflag:s19] =	ssyncadd.s32 $0xFFFFFB00  }
0xb6: {  	[hbm:s9], [sflag:s0] =	dma.local [spmem:s10], $0x500  }
0xb7: {  	s4 =	sadd.s32 $0xFFFFFFFF, s4  }
0xb8: {  	s7 =	sadd.s32 $0x28000, s7  }
.LBB2_9:
0xb9: {  	s31 =	sadd.s32 $0x1, s31  }
0xba: {  	p1 =	sne.s32 s31, s11  }
.Ltmp6:
0xbb: {  	_ = 	snop;
	(pc) =	sbr.rel @p1 .LBB2_1-.Ltmp6, $4  }
0xbc: {  	_ = 	snop  }
0xbd: {  	_ =	swait.ge [sflag:s19], $0x500  }
0xbe: {  	[sflag:s19] =	ssyncset.done $0x0  }
0xbf: {  	[sflag:s19] =	ssyncadd.s32 $0xFFFFFB00  }
0xc0: {  	_ =	sfence.sel $0x180000  }
0xc1: {  	[bflag:$0x0] =	sbarrier.arrive $0xFFFF  }
0xc2: {  	_ =	strace $0x90000047  }
0xc3: {  	s0 =	stileid.u32;
	[bflag:$0x2] =	sbarrier.arrive $0xFFFF  }
0xc4: {  	p0 =	sne.s32 s0, $0x0;
	s0 =	rddreg [dreg:$0x3]  }
0xc5: {  	s0 =	sadd.s32 @!p0 $0x100000, s0  }
0xc6: {  	[sflag:s0] =	ssyncadd.tile.s32 @!p0 $0x1;
	_ =	shalt  }
.Lfunc_end2:
_tile_overlayer_lowered:
.L_overlay_start_2:
0xc7: {  	(tag) =	ssettag $0x2  }
0xc8: {  	s0 =	rddreg [dreg:$0x0];
	s2 =	stileid.u32  }
0xc9: {  	s1 =	rddreg [dreg:$0x1];
	p0 =	sne.s32 s2, $0x0  }
0xca: {  	s3 =	rddreg [dreg:$0x2];
	[bflag:$0x3] =	sbarrier.arrive $0xFFFF;
	s2 =	simm.s32 @!p0 $0x1C07  }
0xcb: {  	[timem:s3], [sflag:s2] =	dma.local @!p0 [hbm:s0], s1  }
0xcc: {  	s0 =	simm.s32 @!p0 $0x7  }
0xcd: {  	_ =	swait.ge @!p0 [sflag:s0], s1  }
0xce: {  	s1 =	ssub.s32 @!p0 $0x0, s1;
	[sflag:s0] =	ssyncset.done @!p0 $0x0  }
0xcf: {  	[sflag:s0] =	ssyncadd.s32 @!p0 s1  }
0xd0: {  	[bflag:$0x3] =	sbarrier.arrive $0xFFFF  }
0xd1: {  	_ =	shalt  }

// kernel: kernel.9.cloned.1.call-start
scs
__scs_entry_jumppad:
0x0: {  	(pc) =	sbr.rel $0x88, $3  }
0x1: {  	(tag) =	ssettag $0x0;
	lr =	simm.s32 $0x1  }
0x2: {  	[smem:$0x3F95] =	sst lr;
	_ =	strace $0xD0000000  }
0x3: {  	_ = 	snop  }
0x4: {  	_ = 	snop  }
0x5: {  	_ = 	snop  }
0x6: {  	_ = 	snop  }
0x7: {  	_ = 	snop  }
__scs_overlays_trampoline_lowered:
0x8: {  	[smem:$0x3FA4] =	sst s0  }
0x9: {  	[smem:$0x3FA5] =	sst s1  }
0xa: {  	[smem:$0x3FA6] =	sst s2  }
0xb: {  	[smem:$0x3FA7] =	sst s3  }
0xc: {  	[smem:$0x3FA8] =	sst s4  }
0xd: {  	[smem:$0x3FA9] =	sst s5  }
0xe: {  	[smem:$0x3FAA] =	sst s6  }
0xf: {  	[smem:$0x3FAB] =	sst s7  }
0x10: {  	[smem:$0x3FAC] =	sst s8  }
0x11: {  	[smem:$0x3FAD] =	sst s9;
	s0 =	simm.s32 @!p0 $0x0  }
0x12: {  	s1 =	sld [smem:$0x3F93];
	s0 =	simm.s32 @p0 $0x1  }
0x13: {  	[smem:$0x3FAE] =	sst s0;
	s0 =	simm.s32 @!p1 $0x0  }
0x14: {  	s2 =	sld [smem:$0x3F92];
	s0 =	simm.s32 @p1 $0x1  }
0x15: {  	[smem:$0x3FAF] =	sst s0;
	s0 =	simm.s32 @!p2 $0x0  }
0x16: {  	s3 =	sld [smem:$0x3FDB];
	s0 =	simm.s32 @p2 $0x1  }
0x17: {  	s4 =	simm.s32 $0x1BF5;
	[smem:$0x3FB1] =	sst s0  }
0x18: {  	s0 =	sld [smem:$0x3F94];
	_ =	swait.ge [sflag:s4], $0x0  }
0x19: {  	s7 =	sld [smem:$0x3F95]  }
0x1a: {  	s8 =	sadd.s32 $0xFFFFE003, lr  }
0x1b: {  	s9 =	sadd.s32 $0xFFFFFEF7, lr;
	s5 =	simm.s32 $0xFFFFFFFF;
	p2 =	slt.u32 s8, $0xFFFFF086  }
0x1c: {  	p1 =	slt.u32 s9, $0xF7A;
	s5 =	simm.s32 @!p2 $0x0  }
0x1d: {  	s5 =	simm.s32 @p1 $0x1;
	p0 =	seq.s32 s7, s2  }
0x1e: {  	s7 =	smul.u32 @!p0 $0xF7A, s2;
	p2 =	seq.s32 @!p0 s5, $0x0  }
0x1f: {  	s9 =	smul.u32 $0xF7A, s1;
	s8 =	simm.s32 @!p0 $0x1BF5;
	p2 =	por !p2, p0  }
0x20: {  	[sflag:s8] =	ssyncset.s32 @!p0 $0xFFFFF086;
	s6 =	sadd.s32 @!p0 s3, s7;
	s7 =	simm.s32 @!p0 $0x108  }
0x21: {  	s3 =	sadd.s32 s3, s9;
	s6 =	sadd.s32 @!p0 $0x88, s6;
	s7 =	simm.s32 @p2 $0x1082  }
0x22: {  	[simem:s7], [sflag:s8] =	dma.local @!p0 [hbm:s6], $0xF7A  }
0x23: {  	s9 =	sor.u32 $0xD0000000, s2;
	s6 =	simm.s32 $0x108;
	_ =	swait.ge @!p0 [sflag:s8], $0x0  }
0x24: {  	s3 =	sadd.s32 $0x88, s3;
	s6 =	simm.s32 @!p1 $0x1082;
	[sflag:s4] =	ssyncset.s32 $0xFFFFF086  }
0x25: {  	[simem:s6], [sflag:s4] =	dma.local [hbm:s3], $0xF7A  }
0x26: {  	[smem:$0x3F95] =	sst s1;
	(tag) =	ssettag s2;
	_ =	strace s9  }
0x27: {  	s1 =	sld [smem:$0x3FA5]  }
0x28: {  	s2 =	sld [smem:$0x3FA6]  }
0x29: {  	s4 =	sld [smem:$0x3FA8]  }
0x2a: {  	p0 =	seq.s32 s5, $0x0;
	s5 =	sld [smem:$0x3FA9]  }
0x2b: {  	s6 =	sld [smem:$0x3FAA]  }
0x2c: {  	s7 =	sld [smem:$0x3FAB]  }
0x2d: {  	s3 =	simm.s32 $0x108;
	s8 =	sld [smem:$0x3FAC]  }
0x2e: {  	s3 =	simm.s32 @!p0 $0x1082;
	s9 =	sld [smem:$0x3FAD]  }
0x2f: {  	lr =	sadd.s32 s0, s3;
	s0 =	sld [smem:$0x3FA4]  }
0x30: {  	s3 =	sld [smem:$0x3FA7]  }
0x31: {  	[smem:$0x3FB0] =	sst s10  }
0x32: {  	s10 =	sld [smem:$0x3FAE];
	_ =	sdelay $0x3  }
0x33: {  	p0 =	seq.s32 s10, $0x1;
	s10 =	sld [smem:$0x3FB0];
	_ =	sdelay $0x3  }
0x34: {  	[smem:$0x3FB0] =	sst s10  }
0x35: {  	s10 =	sld [smem:$0x3FAF];
	_ =	sdelay $0x3  }
0x36: {  	p1 =	seq.s32 s10, $0x1;
	s10 =	sld [smem:$0x3FB0];
	_ =	sdelay $0x3  }
0x37: {  	[smem:$0x3FB0] =	sst s10  }
0x38: {  	s10 =	sld [smem:$0x3FB1]  }
0x39: {  	_ = 	snop;
	(pc) =	sbr.ind lr, $3  }
0x3a: {  	_ = 	snop  }
0x3b: {  	_ = 	snop  }
0x3c: {  	p2 =	seq.s32 s10, $0x1;
	s10 =	sld [smem:$0x3FB0]  }
0x3d: {  	_ =	shalt  }
0x3e: {  	_ =	shalt  }
0x3f: {  	_ =	shalt  }
0x40: {  	_ =	shalt  }
0x41: {  	_ =	shalt  }
0x42: {  	_ =	shalt  }
0x43: {  	_ =	shalt  }
0x44: {  	_ =	shalt  }
0x45: {  	_ =	shalt  }
0x46: {  	_ =	shalt  }
0x47: {  	_ =	shalt  }
0x48: {  	_ =	shalt  }
0x49: {  	_ =	shalt  }
0x4a: {  	_ =	shalt  }
0x4b: {  	_ =	shalt  }
0x4c: {  	_ =	shalt  }
0x4d: {  	_ =	shalt  }
0x4e: {  	_ =	shalt  }
0x4f: {  	_ =	shalt  }
0x50: {  	_ =	shalt  }
0x51: {  	_ =	shalt  }
0x52: {  	_ =	shalt  }
0x53: {  	_ =	shalt  }
0x54: {  	_ =	shalt  }
0x55: {  	_ =	shalt  }
0x56: {  	_ =	shalt  }
0x57: {  	_ =	shalt  }
0x58: {  	_ =	shalt  }
0x59: {  	_ =	shalt  }
0x5a: {  	_ =	shalt  }
0x5b: {  	_ =	shalt  }
0x5c: {  	_ =	shalt  }
0x5d: {  	_ =	shalt  }
0x5e: {  	_ =	shalt  }
0x5f: {  	_ =	shalt  }
0x60: {  	_ =	shalt  }
0x61: {  	_ =	shalt  }
0x62: {  	_ =	shalt  }
0x63: {  	_ =	shalt  }
0x64: {  	_ =	shalt  }
0x65: {  	_ =	shalt  }
0x66: {  	_ =	shalt  }
0x67: {  	_ =	shalt  }
0x68: {  	_ =	shalt  }
0x69: {  	_ =	shalt  }
0x6a: {  	_ =	shalt  }
0x6b: {  	_ =	shalt  }
0x6c: {  	_ =	shalt  }
0x6d: {  	_ =	shalt  }
0x6e: {  	_ =	shalt  }
0x6f: {  	_ =	shalt  }
0x70: {  	_ =	shalt  }
0x71: {  	_ =	shalt  }
0x72: {  	_ =	shalt  }
0x73: {  	_ =	shalt  }
0x74: {  	_ =	shalt  }
0x75: {  	_ =	shalt  }
0x76: {  	_ =	shalt  }
0x77: {  	_ =	shalt  }
0x78: {  	_ =	shalt  }
0x79: {  	_ =	shalt  }
0x7a: {  	_ =	shalt  }
0x7b: {  	_ =	shalt  }
0x7c: {  	_ =	shalt  }
0x7d: {  	_ =	shalt  }
0x7e: {  	_ =	shalt  }
0x7f: {  	_ =	shalt  }
0x80: {  	_ =	shalt  }
0x81: {  	_ =	shalt  }
0x82: {  	_ =	shalt  }
0x83: {  	_ =	shalt  }
0x84: {  	_ =	shalt  }
0x85: {  	_ =	shalt  }
0x86: {  	_ =	shalt  }
0x87: {  	_ =	shalt  }
.Lfunc_end0:
.L_simem_size_0:
called_computation.1_lowered:
.L_overlay_start_0:
0x88: {  	s2 =	sld [smem:$0x3FD9]  }
0x89: {  	s3 =	sld [smem:$0x3FFE];
	_ =	sdelay $0x1  }
0x8a: {  	s1 =	srdreg.scid  }
0x8b: {  	s0 =	sand.u32 $0x1, s1  }
0x8c: {  	s16 =	sshll.u32 s0, $0xA;
	s2 =	sadd.s32 s3, s2  }
0x8d: {  	s2 =	sadd.s32 s2, s16  }
0x8e: {  	[smem:$0x3FBC] =	sst s2  }
0x8f: {  	_ = 	snop  }
0x90: {  	(tm) =	ssettm $0x1  }
0x91: {  	s17 =	sld [smem:$0x3FFB];
	_ =	sdelay $0x3  }
0x92: {  	_ =	strace s17  }
0x93: {  	s2 =	sld [smem:$0x3FFC];
	_ =	sdelay $0x3  }
0x94: {  	_ =	strace s2  }
0x95: {  	s2 =	sld [smem:$0x3FFD];
	_ =	sdelay $0x3  }
0x96: {  	_ =	strace s2  }
0x97: {  	_ =	strace $0x8FFFFFFF  }
0x98: {  	s18 =	sld [smem:$0x3FDB];
	_ =	sdelay $0x1  }
0x99: {  	s19 =	simm.s32 $_scs_section_size  }
0x9a: {  	s4 =	simm.s32 $_size__tile_overlayer_lowered;
	s5 =	simm.s32 $_tile_overlayer_lowered  }
0x9b: {  	s22 =	simm.s32 $0x1BFF;
	s21 =	sshll.u32 s5, $0x1;
	s2 =	sadd.s32 s19, s18  }
0x9c: {  	s6 =	simm.s32 $0x0;
	s20 =	sshll.u32 s4, $0x1;
	s4 =	sadd.s32 s21, s2  }
0x9d: {  	[timem:s6], [sflag:s22] =	dma.local [hbm:s4], s20  }
0x9e: {  	_ =	swait.ge [sflag:s22], s20  }
0x9f: {  	s3 =	ssub.s32 $0x0, s20;
	[sflag:s22] =	ssyncset.done $0x0  }
0xa0: {  	[sflag:s22] =	ssyncadd.s32 s3;
	_ =	sdelay $0x1  }
0xa1: {  	s23 =	simm.s32 $0x1B8B  }
0xa2: {  	_ =	swait.ge [sflag:s23], $0x1  }
0xa3: {  	[sflag:s23] =	ssyncset.done $0x0  }
0xa4: {  	s25 =	simm.s32 $0x1B8E;
	s24 =	sld [smem:$0x3FFE];
	[sflag:s23] =	ssyncadd.s32 $0xFFFFFFFF  }
0xa5: {  	s26 =	simm.s32 $execute0_lowered;
	[smem:$0x3FD2] =	sst s25  }
0xa6: {  	s4 =	sshll.u32 s26, $0x1;
	_ =	strace $0x80000049;
	[dreg:$0x1] =	wrdreg $0xFFFFFFFF  }
0xa7: {  	s28 =	simm.s32 $_size_execute0_lowered;
	s2 =	sadd.s32 s2, s4;
	[dreg:$0x0] =	wrdreg $0x0  }
0xa8: {  	s4 =	sshll.u32 s28, $0x1;
	[dreg:$0x2] =	wrdreg s2  }
0xa9: {  	[dreg:$0x3] =	wrdreg s4  }
0xaa: {  	[dreg:$0x4] =	wrdreg $0xC0  }
0xab: {  	_ =	task [dreg:s6], $0x5FFFF  }
0xac: {  	[dreg:$0x1] =	wrdreg $0xFFFFFFFF  }
0xad: {  	[dreg:$0x0] =	wrdreg $0x60  }
0xae: {  	[dreg:$0x2] =	wrdreg s24  }
0xaf: {  	[dreg:$0x3] =	wrdreg $0x82000  }
0xb0: {  	[dreg:$0x4] =	wrdreg $0x9  }
0xb1: {  	_ =	task.clear_ibuf [dreg:s6], $0x5FFFF;
	_ =	strace $0x90000049  }
0xb2: {  	s29 =	simm.s32 $0x9;
	_ =	strace $0x8000004B  }
0xb3: {  	_ =	swait.ge [sflag:s29], $0x1  }
0xb4: {  	[sflag:s29] =	ssyncadd.s32 $0xFFFFFFFF  }
0xb5: {  	_ =	strace $0x9000004B  }
0xb6: {  	_ =	sfence  }
0xb7: {  	s30 =	sld [smem:$0x0];
	_ =	sdelay $0x2  }
0xb8: {  	s31 =	sshll.u32 s1, $0xD;
	s1 =	sshrl.u32 s1, $0x2  }
0xb9: {  	s3 =	sand.u32 $0x4000, s31;
	s1 =	sadd.s32 s1, s30  }
0xba: {  	s0 =	sor.u32 s3, s0;
	s1 =	sshll.u32 s1, $0x11  }
0xbb: {  	s0 =	sor.u32 s1, s0  }
0xbc: {  	s0 =	sadd.s32 $0x8F2B, s0  }
0xbd: {  	[sflag:s0] =	ssyncadd.remote.s32 $0x1  }
0xbe: {  	_ =	sfence.sel $0xFFFF  }
0xbf: {  	[dreg:$0x0] =	wrdreg $0xFFFFFFFF;
	(pc) =	sbr.abs _section_cstart, $3  }
0xc0: {  	[dreg:$0x1] =	wrdreg $0xFFFFFFFF  }
0xc1: {  	_ =	task.clear_ibuf [dreg:s6], $0x2FFFF;
	_ =	strace $0x9FFFFFFF  }
0xc2: {  	(tm) =	ssettm $0x7FFFFFFF  }
0xc3: {  	_ =	shalt  }
tec
execute0_lowered:
.L_overlay_start_1:
0x0: {  	(tag) =	ssettag $0x1  }
0x1: {  	s0 =	rddreg [dreg:$0x0]  }
0x2: {  	s1 =	rddreg [dreg:$0x1];
	s2 =	simm.s32 $0x0  }
0x3: {  	s4 =	srdreg.scid;
	s18 =	stileid.u32;
	s28 =	simm.s32 $0x2  }
0x4: {  	s29 =	simm.s32 $0x5;
	s30 =	simm.s32 $0x6;
	s31 =	simm.s32 $0x0  }
0x5: {  	[smem:$0x7FF] =	sst s2;
	s3 =	sadd.s32 $0x16000, s0;
	s4 =	sand.u32 $0x1, s4  }
0x6: {  	s7 =	sadd.s32 $0xC200, s0;
	s8 =	sadd.s32 $0x2400, s0;
	s5 =	sadd.s32 $0x3D200, s0  }
0x7: {  	p0 =	slt.u32 s18, $0xD;
	s15 =	smul.u32 $0xA000, s18;
	s16 =	sshll.u32 s18, $0x4  }
0x8: {  	_ =	strace $0x8000004A;
	s6 =	ssub.s32 $0x2, s4;
	s10 =	sshll.u32 s4, $0x4  }
0x9: {  	s17 =	smul.u32 $0x138800, s4;
	s25 =	sshll.u32 s4, $0x8;
	s9 =	sshrl.u32 s6, $0x1  }
0xa: {  	s14 =	sor.u32 s18, s10;
	s26 =	sshrl.u32 s15, $0x2;
	s0 =	sadd.s32 s25, s8  }
0xb: {  	s19 =	ssub.s32 s6, s9;
	s6 =	simm.s32 $0x8;
	s11 =	sshll.u32 s14, $0x4  }
0xc: {  	s18 =	smul.u32 $0x2800, s18;
	s6 =	simm.s32 @!p0 $0x7;
	s20 =	sadd.s32 s7, s11  }
0xd: {  	s21 =	sor.u32 $0x200, s11;
	s22 =	sadd.s32 s8, s11;
	s13 =	sor.u32 $0x9C00, s11  }
0xe: {  	s11 =	smax.u32 s19, $0x1;
	s17 =	sadd.s32 s18, s17;
	s18 =	simm.s32 $0x200  }
0xf: {  	s19 =	simm.s32 $0x7;
	p0 =	sgt.u32 s14, $0x3;
	[dreg:$0x3] =	wrdreg s20  }
0x10: {  	[dreg:$0x4] =	wrdreg s22;
	s23 =	sadd.s32 s7, s21;
	s24 =	sadd.s32 s8, s21  }
0x11: {  	s12 =	sadd.s32 s7, s13;
	s13 =	sadd.s32 s8, s13;
	s7 =	sadd.s32 s25, s7  }
0x12: {  	s8 =	sadd.s32 s26, s1;
	s20 =	simm.s32 $0x80;
	s21 =	simm.s32 $0x3  }
0x13: {  	s22 =	simm.s32 $0x100;
	s25 =	simm.s32 $0x4200;
	[dreg:$0x5] =	wrdreg s23  }
0x14: {  	s26 =	simm.s32 $0x1;
	[dreg:$0x6] =	wrdreg s24;
	s15 =	sadd.s32 s16, s7  }
0x15: {  	v0 =	vimm.f32 $0.0e+00;
	s16 =	sadd.s32 s16, s0;
	s23 =	simm.s32 $0x180;
	s24 =	simm.s32 $0x4  }
.LBB2_1:
0x16: {  	s0 =	simm.s32 $0x0;
	s4 =	simm.s32 $0x200  }
.LBB2_2:
0x17: {  	p1 =	sne.s32 s4, $0x9E00;
	[tilespmem:s0+$0x270] =	vst v0  }
0x18: {  	[tilespmem:s0+$0x200] =	vst v0  }
0x19: {  	[tilespmem:s0+$0x210] =	vst v0  }
.Ltmp0:
0x1a: {  	[tilespmem:s0+$0x220] =	vst v0;
	(pc) =	sbr.rel @p1 .LBB2_2-.Ltmp0, $4  }
0x1b: {  	[tilespmem:s0+$0x230] =	vst v0  }
0x1c: {  	[tilespmem:s0+$0x240] =	vst v0  }
0x1d: {  	[tilespmem:s0+$0x250] =	vst v0  }
0x1e: {  	[tilespmem:s0+$0x260] =	vst v0;
	s0 =	sshra.s32 s4, $0x2;
	s4 =	sadd.s32 $0x200, s4  }
0x1f: {  	[tilespmem:s0+$0x270] =	vst v0  }
0x20: {  	[tilespmem:s0+$0x200] =	vst v0  }
0x21: {  	[tilespmem:s0+$0x210] =	vst v0  }
0x22: {  	[tilespmem:s0+$0x220] =	vst v0  }
0x23: {  	[tilespmem:s0+$0x230] =	vst v0  }
0x24: {  	[tilespmem:s0+$0x240] =	vst v0;
	p1 =	sne.s32 s6, $0x1  }
.Ltmp1:
0x25: {  	[tilespmem:s0+$0x250] =	vst v0;
	(pc) =	sbr.rel @!p1 .LBB2_5-.Ltmp1, $4  }
0x26: {  	[tilespmem:s0+$0x260] =	vst v0  }
0x27: {  	[spmem:s8] =	stream.linear.scatter [tilespmem:s18], [sflag:$0x7], $0x2800, $0x38;
	[tilespmem:$0x1BA80] =	vst v63  }
0x28: {  	_ =	swait.ge [sflag:s19], $0x2800  }
0x29: {  	s0 =	sadd.s32 $0xFFFFFFFF, s6;
	s4 =	smov.u32 s8;
	[sflag:s19] =	ssyncset.done $0x0  }
.LBB2_4:
0x2a: {  	p2 =	sne.s32 s0, $0x1;
	[sflag:s19] =	ssyncadd.s32 $0xFFFFD800;
	s4 =	sadd.s32 $0x28000, s4  }
.Ltmp2:
0x2b: {  	s0 =	sadd.s32 $0xFFFFFFFF, s0;
	(pc) =	sbr.rel @p2 .LBB2_4-.Ltmp2, $4  }
0x2c: {  	_ = 	snop  }
0x2d: {  	[spmem:s4] =	stream.linear.scatter [tilespmem:s18], [sflag:$0x7], $0x2800, $0x38;
	[tilespmem:$0x1BA80] =	vst v63  }
0x2e: {  	_ =	swait.ge [sflag:s19], $0x2800  }
0x2f: {  	[sflag:s19] =	ssyncset.done $0x0  }
.LBB2_5:
0x30: {  	[sflag:s19] =	ssyncadd.s32 $0xFFFFD800  }
0x31: {  	[bflag:$0x0] =	sbarrier.arrive $0xFFFF  }
0x32: {  	s0 =	simm.s32 $0x0;
	s4 =	rddreg [dreg:$0x3]  }
0x33: {  	[tilespmem:s0], [sflag:$0x3] =	stream.linear.gather [hbm4b:s4+s0], $0x80, $0x38;
	[tilespmem:$0x1BA80] =	vst v63  }
0x34: {  	s10 =	rddreg [dreg:$0x4]  }
0x35: {  	[tilespmem:s20], [sflag:$0x3] =	stream.linear.gather [hbm4b:s10+s0], $0x80, $0x38;
	[tilespmem:$0x1BA80] =	vst v63  }
0x36: {  	_ =	swait.ge [sflag:s21], $0x80  }
0x37: {  	[sflag:s21] =	ssyncset.done $0x0  }
0x38: {  	[sflag:s21] =	ssyncadd.s32 $0xFFFFFF80  }
0x39: {  	_ =	swait.ge [sflag:s21], $0x80  }
0x3a: {  	[sflag:s21] =	ssyncset.done $0x0  }
0x3b: {  	[sflag:s21] =	ssyncadd.s32 $0xFFFFFF80  }
0x3c: {  	[tilespmem:s18], [sflag:$0x1] =	stream.indirect.gather [hbm4b:s3+s20], $0x80, s0, s20, $0xb8;
	[tilespmem:$0x1BA80] =	vst v63  }
0x3d: {  	s14 =	rddreg [dreg:$0x5]  }
0x3e: {  	[tilespmem:s22], [sflag:$0x4] =	stream.linear.gather [hbm4b:s14+s0], $0x80, $0x38;
	[tilespmem:$0x1BA80] =	vst v63  }
0x3f: {  	s7 =	rddreg [dreg:$0x6]  }
0x40: {  	[tilespmem:s23], [sflag:$0x4] =	stream.linear.gather [hbm4b:s7+s0], $0x80, $0x38;
	[tilespmem:$0x1BA80] =	vst v63  }
0x41: {  	_ =	swait.ge [sflag:s24], $0x80  }
0x42: {  	[sflag:s24] =	ssyncset.done $0x0  }
0x43: {  	[sflag:s24] =	ssyncadd.s32 $0xFFFFFF80  }
0x44: {  	_ =	swait.ge [sflag:s24], $0x80  }
0x45: {  	[sflag:s24] =	ssyncset.done $0x0  }
0x46: {  	[sflag:s24] =	ssyncadd.s32 $0xFFFFFF80  }
0x47: {  	[tilespmem:s25], [sflag:$0x2] =	stream.indirect.gather [hbm4b:s3+s20], $0x80, s22, s20, $0xb8;
	[tilespmem:$0x1BA80] =	vst v63  }
0x48: {  	_ =	swait.ge [sflag:s26], $0x4000  }
0x49: {  	[sflag:s26] =	ssyncset.done $0x0  }
0x4a: {  	[sflag:s26] =	ssyncadd.s32 $0xFFFFC000  }
0x4b: {  	[spmem:s1] =	stream.indirect.scatter.add.f32 [tilespmem:s18], [sflag:$0x5], $0x80, s20, s20, $0xb8;
	[tilespmem:$0x1BA80] =	vst v63  }
0x4c: {  	_ =	swait.ge [sflag:s28], $0x4000  }
0x4d: {  	[sflag:s28] =	ssyncset.done $0x0  }
0x4e: {  	[sflag:s28] =	ssyncadd.s32 $0xFFFFC000  }
0x4f: {  	[spmem:s1] =	stream.indirect.scatter.add.f32 [tilespmem:s25], [sflag:$0x6], $0x80, s23, s20, $0xb8;
	[tilespmem:$0x1BA80] =	vst v63  }
0x50: {  	_ =	swait.ge [sflag:s29], $0x4000  }
0x51: {  	s9 =	sadd.s32 $0x0, s15;
	[sflag:s29] =	ssyncset.done $0x0  }
0x52: {  	s10 =	sadd.s32 $0x400, s9;
	s7 =	sadd.s32 $0x0, s16;
	[sflag:s29] =	ssyncadd.s32 $0xFFFFC000  }
0x53: {  	[tilespmem:s2], [sflag:$0x3] =	stream.linear.gather [hbm4b:s10+s2], $0x80, $0x38;
	[tilespmem:$0x1BA80] =	vst v63  }
0x54: {  	s14 =	sadd.s32 $0x400, s7  }
0x55: {  	[tilespmem:s20], [sflag:$0x3] =	stream.linear.gather [hbm4b:s14+s2], $0x80, $0x38;
	[tilespmem:$0x1BA80] =	vst v63  }
0x56: {  	_ =	swait.ge [sflag:s21], $0x80  }
0x57: {  	[sflag:s21] =	ssyncset.done $0x0  }
0x58: {  	[sflag:s21] =	ssyncadd.s32 $0xFFFFFF80  }
0x59: {  	_ =	swait.ge [sflag:s21], $0x80  }
0x5a: {  	[sflag:s21] =	ssyncset.done $0x0  }
0x5b: {  	[sflag:s21] =	ssyncadd.s32 $0xFFFFFF80  }
0x5c: {  	[tilespmem:s18], [sflag:$0x1] =	stream.indirect.gather [hbm4b:s3+s20], $0x80, s2, s20, $0xb8;
	[tilespmem:$0x1BA80] =	vst v63  }
0x5d: {  	_ =	swait.ge [sflag:s30], $0x4000  }
0x5e: {  	[sflag:s30] =	ssyncset.done $0x0  }
0x5f: {  	s0 =	sadd.s32 $0x600, s9;
	[sflag:s30] =	ssyncadd.s32 $0xFFFFC000  }
0x60: {  	[tilespmem:s22], [sflag:$0x4] =	stream.linear.gather [hbm4b:s0+s2], $0x80, $0x38;
	[tilespmem:$0x1BA80] =	vst v63  }
0x61: {  	s4 =	sadd.s32 $0x600, s7;
	s0 =	simm.s32 $0x400  }
.LBB2_6:
0x62: {  	[tilespmem:s23], [sflag:$0x4] =	stream.linear.gather [hbm4b:s4+s2], $0x80, $0x38;
	[tilespmem:$0x1BA80] =	vst v63  }
0x63: {  	s4 =	smov.u32 s0  }
0x64: {  	p2 =	sne.s32 s0, $0x9400;
	s0 =	sadd.s32 $0x400, s0;
	_ =	swait.ge [sflag:s24], $0x80  }
0x65: {  	[sflag:s24] =	ssyncset.done $0x0  }
0x66: {  	[sflag:s24] =	ssyncadd.s32 $0xFFFFFF80  }
0x67: {  	_ =	swait.ge [sflag:s24], $0x80  }
0x68: {  	[sflag:s24] =	ssyncset.done $0x0  }
0x69: {  	[sflag:s24] =	ssyncadd.s32 $0xFFFFFF80  }
0x6a: {  	[tilespmem:s25], [sflag:$0x2] =	stream.indirect.gather [hbm4b:s3+s20], $0x80, s22, s20, $0xb8;
	[tilespmem:$0x1BA80] =	vst v63  }
0x6b: {  	_ =	swait.ge [sflag:s26], $0x4000  }
0x6c: {  	[sflag:s26] =	ssyncset.done $0x0  }
0x6d: {  	[sflag:s26] =	ssyncadd.s32 $0xFFFFC000  }
0x6e: {  	[spmem:s1] =	stream.indirect.scatter.add.f32 [tilespmem:s18], [sflag:$0x5], $0x80, s20, s20, $0xb8;
	[tilespmem:$0x1BA80] =	vst v63  }
0x6f: {  	_ =	swait.ge [sflag:s28], $0x4000  }
0x70: {  	[sflag:s28] =	ssyncset.done $0x0  }
0x71: {  	[sflag:s28] =	ssyncadd.s32 $0xFFFFC000  }
0x72: {  	[spmem:s1] =	stream.indirect.scatter.add.f32 [tilespmem:s25], [sflag:$0x6], $0x80, s23, s20, $0xb8;
	[tilespmem:$0x1BA80] =	vst v63  }
0x73: {  	_ =	swait.ge [sflag:s29], $0x4000  }
0x74: {  	s7 =	sadd.s32 s4, s15;
	[sflag:s29] =	ssyncset.done $0x0  }
0x75: {  	s4 =	sadd.s32 s4, s16;
	s14 =	sadd.s32 $0x400, s7;
	[sflag:s29] =	ssyncadd.s32 $0xFFFFC000  }
0x76: {  	[tilespmem:s2], [sflag:$0x3] =	stream.linear.gather [hbm4b:s14+s2], $0x80, $0x38;
	[tilespmem:$0x1BA80] =	vst v63  }
0x77: {  	s14 =	sadd.s32 $0x400, s4  }
0x78: {  	[tilespmem:s20], [sflag:$0x3] =	stream.linear.gather [hbm4b:s14+s2], $0x80, $0x38;
	[tilespmem:$0x1BA80] =	vst v63  }
0x79: {  	_ =	swait.ge [sflag:s21], $0x80  }
0x7a: {  	[sflag:s21] =	ssyncset.done $0x0  }
0x7b: {  	[sflag:s21] =	ssyncadd.s32 $0xFFFFFF80  }
0x7c: {  	_ =	swait.ge [sflag:s21], $0x80  }
0x7d: {  	[sflag:s21] =	ssyncset.done $0x0  }
0x7e: {  	[sflag:s21] =	ssyncadd.s32 $0xFFFFFF80  }
0x7f: {  	[tilespmem:s18], [sflag:$0x1] =	stream.indirect.gather [hbm4b:s3+s20], $0x80, s2, s20, $0xb8;
	[tilespmem:$0x1BA80] =	vst v63  }
.Ltmp3:
0x80: {  	_ =	swait.ge [sflag:s30], $0x4000;
	(pc) =	sbr.rel @p2 .LBB2_6-.Ltmp3, $4  }
0x81: {  	[sflag:s30] =	ssyncset.done $0x0  }
0x82: {  	s7 =	sadd.s32 $0x600, s7;
	[sflag:s30] =	ssyncadd.s32 $0xFFFFC000  }
0x83: {  	[tilespmem:s22], [sflag:$0x4] =	stream.linear.gather [hbm4b:s7+s2], $0x80, $0x38;
	[tilespmem:$0x1BA80] =	vst v63  }
0x84: {  	s4 =	sadd.s32 $0x600, s4  }
0x85: {  	[tilespmem:s23], [sflag:$0x4] =	stream.linear.gather [hbm4b:s4+s2], $0x80, $0x38;
	[tilespmem:$0x1BA80] =	vst v63  }
0x86: {  	_ =	swait.ge [sflag:s24], $0x80  }
0x87: {  	[sflag:s24] =	ssyncset.done $0x0  }
0x88: {  	[sflag:s24] =	ssyncadd.s32 $0xFFFFFF80  }
0x89: {  	_ =	swait.ge [sflag:s24], $0x80  }
0x8a: {  	[sflag:s24] =	ssyncset.done $0x0  }
0x8b: {  	[sflag:s24] =	ssyncadd.s32 $0xFFFFFF80  }
0x8c: {  	[tilespmem:s25], [sflag:$0x2] =	stream.indirect.gather [hbm4b:s3+s20], $0x80, s22, s20, $0xb8;
	[tilespmem:$0x1BA80] =	vst v63  }
0x8d: {  	_ =	swait.ge [sflag:s26], $0x4000  }
0x8e: {  	[sflag:s26] =	ssyncset.done $0x0  }
0x8f: {  	[sflag:s26] =	ssyncadd.s32 $0xFFFFC000  }
0x90: {  	[spmem:s1] =	stream.indirect.scatter.add.f32 [tilespmem:s18], [sflag:$0x5], $0x80, s20, s20, $0xb8;
	[tilespmem:$0x1BA80] =	vst v63  }
0x91: {  	_ =	swait.ge [sflag:s28], $0x4000  }
0x92: {  	[sflag:s28] =	ssyncset.done $0x0  }
0x93: {  	[sflag:s28] =	ssyncadd.s32 $0xFFFFC000  }
0x94: {  	[spmem:s1] =	stream.indirect.scatter.add.f32 [tilespmem:s25], [sflag:$0x6], $0x80, s23, s20, $0xb8;
	[tilespmem:$0x1BA80] =	vst v63  }
0x95: {  	_ =	swait.ge [sflag:s29], $0x4000  }
0x96: {  	[sflag:s29] =	ssyncset.done $0x0  }
0x97: {  	s0 =	simm.s32 @!p0 $0x0;
	[sflag:s29] =	ssyncadd.s32 $0xFFFFC000  }
0x98: {  	[tilespmem:s0], [sflag:$0x3] =	stream.linear.gather @!p0 [hbm4b:s12+s0], $0x80, $0x38;
	[tilespmem:$0x1BA80] =	vst v63  }
0x99: {  	s4 =	simm.s32 @!p0 $0x80;
	s7 =	simm.s32 @!p0 $0x3  }
0x9a: {  	[tilespmem:s4], [sflag:$0x3] =	stream.linear.gather @!p0 [hbm4b:s13+s0], $0x80, $0x38;
	[tilespmem:$0x1BA80] =	vst v63  }
0x9b: {  	_ =	swait.ge @!p0 [sflag:s7], $0x80  }
0x9c: {  	[sflag:s7] =	ssyncset.done @!p0 $0x0  }
0x9d: {  	[sflag:s7] =	ssyncadd.s32 @!p0 $0xFFFFFF80  }
0x9e: {  	_ =	swait.ge @!p0 [sflag:s7], $0x80  }
0x9f: {  	[sflag:s7] =	ssyncset.done @!p0 $0x0  }
0xa0: {  	[sflag:s7] =	ssyncadd.s32 @!p0 $0xFFFFFF80;
	s7 =	simm.s32 @!p0 $0x200  }
0xa1: {  	[tilespmem:s7], [sflag:$0x1] =	stream.indirect.gather @!p0 [hbm4b:s3+s4], $0x80, s0, s4, $0xb8;
	[tilespmem:$0x1BA80] =	vst v63  }
0xa2: {  	s0 =	simm.s32 @!p0 $0x6  }
0xa3: {  	_ =	swait.ge @!p0 [sflag:s0], $0x4000  }
0xa4: {  	[sflag:s0] =	ssyncset.done @!p0 $0x0  }
0xa5: {  	[sflag:s0] =	ssyncadd.s32 @!p0 $0xFFFFC000;
	s0 =	simm.s32 @!p0 $0x1  }
0xa6: {  	_ =	swait.ge @!p0 [sflag:s0], $0x4000  }
0xa7: {  	[sflag:s0] =	ssyncset.done @!p0 $0x0  }
0xa8: {  	[sflag:s0] =	ssyncadd.s32 @!p0 $0xFFFFC000;
	s0 =	simm.s32 @!p0 $0x7  }
0xa9: {  	[spmem:s1] =	stream.indirect.scatter.add.f32 @!p0 [tilespmem:s7], [sflag:$0x7], $0x80, s4, s4, $0xb8;
	[tilespmem:$0x1BA80] =	vst v63  }
0xaa: {  	s0 =	simm.s32 @p0 $0x6  }
0xab: {  	s9 =	stileid.u32;
	_ =	swait.ge [sflag:s0], $0x4000  }
.Ltmp4:
0xac: {  	s10 =	sshrl.u32 s17, $0x3;
	[sflag:s0] =	ssyncset.done $0x0;
	(pc) =	sbr.rel @!p1 .LBB2_9-.Ltmp4, $4  }
0xad: {  	s14 =	sshrl.u32 s8, $0x3;
	[sflag:s0] =	ssyncadd.s32 $0xFFFFC000;
	s0 =	sshll.u32 s9, $0x6  }
0xae: {  	s4 =	sadd.s32 s5, s10;
	[bflag:$0x0] =	sbarrier.arrive $0xFFFF;
	s0 =	sor.u32 $0x1C07, s0  }
0xaf: {  	[hbm:s4], [sflag:s0] =	dma.local [spmem:s14], $0x500  }
0xb0: {  	s7 =	sadd.s32 $0x28000, s17;
	s4 =	sadd.s32 $0xFFFFFFFF, s6;
	s14 =	smov.u32 s8  }
.LBB2_8:
0xb1: {  	_ =	swait.ge [sflag:s19], $0x500  }
0xb2: {  	s14 =	sadd.s32 $0x28000, s14;
	s9 =	sshrl.u32 s7, $0x3;
	p1 =	sne.s32 s4, $0x1  }
.Ltmp5:
0xb3: {  	s10 =	sshrl.u32 s14, $0x3;
	[sflag:s19] =	ssyncset.done $0x0;
	(pc) =	sbr.rel @p1 .LBB2_8-.Ltmp5, $4  }
0xb4: {  	s9 =	sadd.s32 s5, s9;
	[sflag:s19] =	ssyncadd.s32 $0xFFFFFB00  }
0xb5: {  	[hbm:s9], [sflag:s0] =	dma.local [spmem:s10], $0x500  }
0xb6: {  	s4 =	sadd.s32 $0xFFFFFFFF, s4  }
0xb7: {  	s7 =	sadd.s32 $0x28000, s7  }
.LBB2_9:
0xb8: {  	s31 =	sadd.s32 $0x1, s31  }
0xb9: {  	p1 =	sne.s32 s31, s11  }
.Ltmp6:
0xba: {  	_ = 	snop;
	(pc) =	sbr.rel @p1 .LBB2_1-.Ltmp6, $4  }
0xbb: {  	_ = 	snop  }
0xbc: {  	_ =	swait.ge [sflag:s19], $0x500  }
0xbd: {  	[sflag:s19] =	ssyncset.done $0x0  }
0xbe: {  	[sflag:s19] =	ssyncadd.s32 $0xFFFFFB00  }
0xbf: {  	_ =	sfence.sel $0x180000  }
0xc0: {  	[bflag:$0x0] =	sbarrier.arrive $0xFFFF  }
0xc1: {  	_ =	strace $0x9000004A  }
0xc2: {  	s0 =	stileid.u32;
	[bflag:$0x2] =	sbarrier.arrive $0xFFFF  }
0xc3: {  	p0 =	sne.s32 s0, $0x0;
	s0 =	rddreg [dreg:$0x2]  }
0xc4: {  	s0 =	sadd.s32 @!p0 $0x100000, s0  }
0xc5: {  	[sflag:s0] =	ssyncadd.tile.s32 @!p0 $0x1;
	_ =	shalt  }
.Lfunc_end2:
_tile_overlayer_lowered:
.L_overlay_start_2:
0xc6: {  	(tag) =	ssettag $0x2  }
0xc7: {  	s0 =	rddreg [dreg:$0x0];
	s2 =	stileid.u32  }
0xc8: {  	s1 =	rddreg [dreg:$0x1];
	p0 =	sne.s32 s2, $0x0  }
0xc9: {  	s3 =	rddreg [dreg:$0x2];
	[bflag:$0x3] =	sbarrier.arrive $0xFFFF;
	s2 =	simm.s32 @!p0 $0x1C07  }
0xca: {  	[timem:s3], [sflag:s2] =	dma.local @!p0 [hbm:s0], s1  }
0xcb: {  	s0 =	simm.s32 @!p0 $0x7  }
0xcc: {  	_ =	swait.ge @!p0 [sflag:s0], s1  }
0xcd: {  	s1 =	ssub.s32 @!p0 $0x0, s1;
	[sflag:s0] =	ssyncset.done @!p0 $0x0  }
0xce: {  	[sflag:s0] =	ssyncadd.s32 @!p0 s1  }
0xcf: {  	[bflag:$0x3] =	sbarrier.arrive $0xFFFF  }
0xd0: {  	_ =	shalt  }

</sc_bundles>
